<compile_context>
chip_gen: v7x
topology: tpu7x:2x2x1
jax: 0.10.2.dev20260603
libtpu: 0.0.44.dev20260713+nightly
codegen_flags: <defaults>
</compile_context>

<pallas_src>
import functools

import jax
import jax.numpy as jnp
from jax import lax
from jax.experimental import pallas as pl
from jax.experimental.pallas import tpu as pltpu
from jax.experimental.pallas import tpu_sc as plsc

_VOCAB = 4096
_NT = 512


_W = 128


def _argmin_body(f_ref, emb2T_ref, idx_ref, losssum_ref):
    i = pl.program_id(0)
    f = f_ref[...]
    emb2T = emb2T_ref[...]
    mm2 = jnp.dot(f, emb2T)
    fs = jnp.sum(f * f, axis=1, keepdims=True)
    e = 0.5 * emb2T
    es = jnp.sum(e * e, axis=0, keepdims=True)

    mnv = (fs - mm2[:, :_W]) + es[:, :_W]
    mni = jnp.zeros(mnv.shape, jnp.float32)
    for c in range(1, _VOCAB // _W):
        dv = (fs - mm2[:, c * _W:(c + 1) * _W]) + es[:, c * _W:(c + 1) * _W]
        lt = dv < mnv
        mni = jnp.where(lt, jnp.float32(c), mni)
        mnv = jnp.minimum(mnv, dv)
    gmin = jnp.min(mnv, axis=1, keepdims=True)
    lane = lax.broadcasted_iota(jnp.int32, mnv.shape, 1).astype(jnp.float32)
    key = jnp.where(mnv == gmin, mni * jnp.float32(_W) + lane,
                    jnp.float32(_VOCAB))
    idx = jnp.min(key, axis=1).astype(jnp.int32)
    idx_ref[0, 0, :] = idx
    bs = jnp.sum(gmin).reshape(1, 1)

    @pl.when(i == 0)
    def _():
        losssum_ref[...] = bs

    @pl.when(i != 0)
    def _():
        losssum_ref[...] += bs


_CHUNK = 128


def _make_sc_gather(n_tokens, d_pad):
    info = plsc.get_sparse_core_info()
    nc, ns = info.num_cores, info.num_subcores
    nw = nc * ns
    b_per_w = n_tokens // nw
    n_chunks = b_per_w // _CHUNK
    mesh = plsc.VectorSubcoreMesh(core_axis_name="c", subcore_axis_name="s")

    @functools.partial(
        pl.kernel,
        mesh=mesh,
        out_type=jax.ShapeDtypeStruct((n_tokens, d_pad), jnp.float32),
        scratch_types=[
            pltpu.VMEM((n_chunks, _CHUNK), jnp.int32),
            pltpu.VMEM((b_per_w, d_pad), jnp.float32),
            pltpu.SemaphoreType.DMA,
        ],
        compiler_params=pltpu.CompilerParams(use_tc_tiling_on_sc=False),
    )
    def gather_k(table_hbm, idx_hbm, out_hbm, idx_v, rows_v, sem):
        wid = lax.axis_index("s") * nc + lax.axis_index("c")
        base = wid * b_per_w
        pltpu.sync_copy(idx_hbm.at[pl.ds(wid * n_chunks, n_chunks)], idx_v)
        copies = [
            pltpu.async_copy(
                table_hbm.at[idx_v.at[j]],
                rows_v.at[pl.ds(j * _CHUNK, _CHUNK)],
                sem,
            )
            for j in range(n_chunks)
        ]
        for c in copies:
            c.wait()
        pltpu.sync_copy(rows_v, out_hbm.at[pl.ds(base, b_per_w)])

    return gather_k


def _argmin_call(fpad_half, emb2T):
    nh = fpad_half.shape[0]
    nb = nh // _NT
    return pl.pallas_call(
        _argmin_body,
        grid=(nb,),
        in_specs=[
            pl.BlockSpec((_NT, 8), lambda i: (i, 0)),
            pl.BlockSpec((8, _VOCAB), lambda i: (0, 0)),
        ],
        out_specs=[
            pl.BlockSpec((1, 1, _NT), lambda i: (i, 0, 0)),
            pl.BlockSpec((1, 1), lambda i: (0, 0)),
        ],
        out_shape=[
            jax.ShapeDtypeStruct((nb, 1, _NT), jnp.int32),
            jax.ShapeDtypeStruct((1, 1), jnp.float32),
        ],
    )(fpad_half, emb2T)


def kernel(feats, embedding):
    Bb, Ll, Dd = feats.shape
    n = Bb * Ll
    nh = n // 2
    flat = feats.reshape(n, Dd)
    fpad = jnp.pad(flat, ((0, 0), (0, 8 - Dd)))
    emb2T = jnp.pad(embedding + embedding, ((0, 0), (0, 8 - Dd))).T

    d_pad = 16
    table = jnp.pad(embedding, ((0, 0), (0, d_pad - Dd)))
    gather = _make_sc_gather(nh, d_pad)

    idx3_a, loss_a = _argmin_call(fpad[:nh], emb2T)
    idx_a = idx3_a.reshape(nh)
    quant_a = gather(table, idx_a.reshape(nh // _CHUNK, _CHUNK))
    idx3_b, loss_b = _argmin_call(fpad[nh:], emb2T)
    idx_b = idx3_b.reshape(nh)
    quant_b = gather(table, idx_b.reshape(nh // _CHUNK, _CHUNK))

    idx = jnp.concatenate([idx_a, idx_b])
    loss = (loss_a[0, 0] + loss_b[0, 0]) * 1.25 / (n * Dd)
    quantp = jnp.concatenate([quant_a, quant_b])
    quant_st = quantp[:, :Dd].reshape(Bb, Ll, Dd)
    return (quant_st, idx.reshape(Bb, Ll), loss)

# --- scband reference (transcript-rebuilt; emitter-appended) ---
"""Pipeline reference for scband-wavelet-tokenizer-23914377904172 (READ-ONLY COPY).

The authoritative reference and input builder live on the scoring server;
editing this copy changes nothing except your own understanding.
"""

import math
import jax, jax.numpy as jnp
import numpy as np

VOCAB = 4096
CODE_DIM = 3
B, L, D = 4, 24576, 3

def setup_inputs(seed: int = 0) -> dict:
    key = jax.random.key(seed)
    k1, k2 = jax.random.split(key)
    feats = jax.random.normal(k1, (B, L, D), dtype=jnp.float32)
    # xavier_uniform init for embedding weight of shape (VOCAB, CODE_DIM)
    limit = math.sqrt(6.0 / (VOCAB + CODE_DIM))
    embedding = jax.random.uniform(k2, (VOCAB, CODE_DIM), minval=-limit, maxval=limit, dtype=jnp.float32)
    return {"feats": feats, "embedding": embedding}

def reference(feats, embedding):
    # EMAVQ.forward (inference path; EMA buffer updates only occur in training mode)
    Bb, Ll, Dd = feats.shape
    flat = feats.reshape(-1, Dd)
    dist = (jnp.sum(flat ** 2, axis=1, keepdims=True)
            - 2.0 * flat @ embedding.T
            + jnp.sum(embedding ** 2, axis=1))
    idx = jnp.argmin(dist, axis=1)
    quant = jnp.take(embedding, idx, axis=0).reshape(Bb, Ll, Dd)
    loss = (jnp.mean((quant - jax.lax.stop_gradient(feats)) ** 2)
            + 0.25 * jnp.mean((feats - jax.lax.stop_gradient(quant)) ** 2))
    quant_st = feats + jax.lax.stop_gradient(quant - feats)
    return (quant_st, idx.reshape(Bb, Ll), loss)

if __name__ == "__main__":
    import jax
    _d = setup_inputs()
    print(jax.jit(kernel)(*tuple(_d.values())))

</pallas_src>

<mosaic_0001>
#map = affine_map<(d0, d1) -> (0, 0)>
module attributes {stable_mosaic.version = 14 : i64} {
  func.func @gather_k(%arg0: i32, %arg1: i32, %arg2: memref<4096x16xf32, #tpu.memory_space<hbm>>, %arg3: memref<384x128xi32, #tpu.memory_space<hbm>>, %arg4: memref<49152x16xf32, #tpu.memory_space<hbm>>, %arg5: memref<12x128xi32, #tpu.memory_space<vmem>>, %arg6: memref<1536x16xf32, #tpu.memory_space<vmem>>, %arg7: memref<!tpu.dma_semaphore, #tpu.memory_space<semaphore_mem>>) attributes {dimension_semantics = [#tpu.dimension_semantics<core_parallel>, #tpu.dimension_semantics<subcore_parallel>], iteration_bounds = array<i64: 2, 16>, scalar_prefetch = 0 : i64, scratch_operands = 3 : i64, tpu.core_type = #tpu.core_type<sc_vector_subcore>, window_params = [{transform_indices = #map}, {transform_indices = #map}, {transform_indices = #map}]} {
    %mul3A = arith.constant 2 : i32
    %mul3A_0 = arith.muli %arg1, %mul3A : i32
    %add3A = arith.addi %mul3A_0, %arg0 : i32
    %mul3A_1 = arith.constant 1536 : i32
    %mul3A_2 = arith.muli %add3A, %mul3A_1 : i32
    %mul3A_3 = arith.constant 12 : i32
    %mul3A_4 = arith.muli %add3A, %mul3A_3 : i32
    "tpu.region"() ({
      %run_scoped3A = tpu.sem_alloc : memref<!tpu.dma_semaphore, #tpu.memory_space<semaphore_mem>>
      %dma_start3A_243 = arith.constant 0 : i32
      %dma_start3A_244 = tpu.memref_slice %arg3[%mul3A_4, %dma_start3A_243] : memref<384x128xi32, #tpu.memory_space<hbm>> -> memref<12x128xi32, #tpu.memory_space<hbm>>
      %dma_start3A_245 = arith.constant 0 : i32
      %dma_start3A_246 = tpu.memref_slice %arg3[%mul3A_4, %dma_start3A_245] : memref<384x128xi32, #tpu.memory_space<hbm>> -> memref<12x128xi32, #tpu.memory_space<hbm>>
      tpu.enqueue_dma source(%dma_start3A_246 : memref<12x128xi32, #tpu.memory_space<hbm>>) target(%arg5 : memref<12x128xi32, #tpu.memory_space<vmem>>) target_semaphore(%run_scoped3A : memref<!tpu.dma_semaphore, #tpu.memory_space<semaphore_mem>>)
      %dma_wait3A_247 = arith.constant 0 : i32
      %dma_wait3A_248 = tpu.memref_slice %arg3[%mul3A_4, %dma_wait3A_247] : memref<384x128xi32, #tpu.memory_space<hbm>> -> memref<12x128xi32, #tpu.memory_space<hbm>>
      %dma_wait3A_249 = arith.constant 0 : i32
      %dma_wait3A_250 = tpu.memref_slice %arg3[%mul3A_4, %dma_wait3A_249] : memref<384x128xi32, #tpu.memory_space<hbm>> -> memref<12x128xi32, #tpu.memory_space<hbm>>
      tpu.wait_dma2 semaphore(%run_scoped3A : memref<!tpu.dma_semaphore, #tpu.memory_space<semaphore_mem>>) src(%dma_wait3A_250 : memref<12x128xi32, #tpu.memory_space<hbm>>) dst(%arg5 : memref<12x128xi32, #tpu.memory_space<vmem>>)
      tpu.yield
    }) : () -> ()
    %dma_start3A = arith.constant 0 : i32
    %dma_start3A_5 = arith.constant 0 : i32
    %dma_start3A_6 = arith.constant 0 : i32
    %dma_start3A_7 = tpu.memref_slice %arg6[%dma_start3A_5, %dma_start3A_6] : memref<1536x16xf32, #tpu.memory_space<vmem>> -> memref<128x16xf32, #tpu.memory_space<vmem>>
    %dma_start3A_8 = arith.constant 0 : i32
    %dma_start3A_9 = tpu.memref_slice %arg5[%dma_start3A, %dma_start3A_8] : memref<12x128xi32, #tpu.memory_space<vmem>> -> memref<1x128xi32, #tpu.memory_space<vmem>>
    %dma_start3A_10 = tpu.memref_squeeze %dma_start3A_9 : memref<1x128xi32, #tpu.memory_space<vmem>> -> memref<128xi32, #tpu.memory_space<vmem>>
    %dma_start3A_11 = arith.constant 0 : i32
    %dma_start3A_12 = arith.constant 0 : i32
    %dma_start3A_13 = tpu.memref_slice %arg2[%dma_start3A_11, %dma_start3A_12] : memref<4096x16xf32, #tpu.memory_space<hbm>> -> memref<4096x16xf32, #tpu.memory_space<hbm>>
    tpu.enqueue_indirect_dma source(%dma_start3A_13 : memref<4096x16xf32, #tpu.memory_space<hbm>>) target(%dma_start3A_7 : memref<128x16xf32, #tpu.memory_space<vmem>>) offsets(%dma_start3A_10 : memref<128xi32, #tpu.memory_space<vmem>>) semaphore(%arg7 : memref<!tpu.dma_semaphore, #tpu.memory_space<semaphore_mem>>)
    %dma_start3A_14 = arith.constant 1 : i32
    %dma_start3A_15 = arith.constant 128 : i32
    %dma_start3A_16 = arith.constant 0 : i32
    %dma_start3A_17 = tpu.memref_slice %arg6[%dma_start3A_15, %dma_start3A_16] : memref<1536x16xf32, #tpu.memory_space<vmem>> -> memref<128x16xf32, #tpu.memory_space<vmem>>
    %dma_start3A_18 = arith.constant 0 : i32
    %dma_start3A_19 = tpu.memref_slice %arg5[%dma_start3A_14, %dma_start3A_18] : memref<12x128xi32, #tpu.memory_space<vmem>> -> memref<1x128xi32, #tpu.memory_space<vmem>>
    %dma_start3A_20 = tpu.memref_squeeze %dma_start3A_19 : memref<1x128xi32, #tpu.memory_space<vmem>> -> memref<128xi32, #tpu.memory_space<vmem>>
    %dma_start3A_21 = arith.constant 0 : i32
    %dma_start3A_22 = arith.constant 0 : i32
    %dma_start3A_23 = tpu.memref_slice %arg2[%dma_start3A_21, %dma_start3A_22] : memref<4096x16xf32, #tpu.memory_space<hbm>> -> memref<4096x16xf32, #tpu.memory_space<hbm>>
    tpu.enqueue_indirect_dma source(%dma_start3A_23 : memref<4096x16xf32, #tpu.memory_space<hbm>>) target(%dma_start3A_17 : memref<128x16xf32, #tpu.memory_space<vmem>>) offsets(%dma_start3A_20 : memref<128xi32, #tpu.memory_space<vmem>>) semaphore(%arg7 : memref<!tpu.dma_semaphore, #tpu.memory_space<semaphore_mem>>)
    %dma_start3A_24 = arith.constant 2 : i32
    %dma_start3A_25 = arith.constant 256 : i32
    %dma_start3A_26 = arith.constant 0 : i32
    %dma_start3A_27 = tpu.memref_slice %arg6[%dma_start3A_25, %dma_start3A_26] : memref<1536x16xf32, #tpu.memory_space<vmem>> -> memref<128x16xf32, #tpu.memory_space<vmem>>
    %dma_start3A_28 = arith.constant 0 : i32
    %dma_start3A_29 = tpu.memref_slice %arg5[%dma_start3A_24, %dma_start3A_28] : memref<12x128xi32, #tpu.memory_space<vmem>> -> memref<1x128xi32, #tpu.memory_space<vmem>>
    %dma_start3A_30 = tpu.memref_squeeze %dma_start3A_29 : memref<1x128xi32, #tpu.memory_space<vmem>> -> memref<128xi32, #tpu.memory_space<vmem>>
    %dma_start3A_31 = arith.constant 0 : i32
    %dma_start3A_32 = arith.constant 0 : i32
    %dma_start3A_33 = tpu.memref_slice %arg2[%dma_start3A_31, %dma_start3A_32] : memref<4096x16xf32, #tpu.memory_space<hbm>> -> memref<4096x16xf32, #tpu.memory_space<hbm>>
    tpu.enqueue_indirect_dma source(%dma_start3A_33 : memref<4096x16xf32, #tpu.memory_space<hbm>>) target(%dma_start3A_27 : memref<128x16xf32, #tpu.memory_space<vmem>>) offsets(%dma_start3A_30 : memref<128xi32, #tpu.memory_space<vmem>>) semaphore(%arg7 : memref<!tpu.dma_semaphore, #tpu.memory_space<semaphore_mem>>)
    %dma_start3A_34 = arith.constant 3 : i32
    %dma_start3A_35 = arith.constant 384 : i32
    %dma_start3A_36 = arith.constant 0 : i32
    %dma_start3A_37 = tpu.memref_slice %arg6[%dma_start3A_35, %dma_start3A_36] : memref<1536x16xf32, #tpu.memory_space<vmem>> -> memref<128x16xf32, #tpu.memory_space<vmem>>
    %dma_start3A_38 = arith.constant 0 : i32
    %dma_start3A_39 = tpu.memref_slice %arg5[%dma_start3A_34, %dma_start3A_38] : memref<12x128xi32, #tpu.memory_space<vmem>> -> memref<1x128xi32, #tpu.memory_space<vmem>>
    %dma_start3A_40 = tpu.memref_squeeze %dma_start3A_39 : memref<1x128xi32, #tpu.memory_space<vmem>> -> memref<128xi32, #tpu.memory_space<vmem>>
    %dma_start3A_41 = arith.constant 0 : i32
    %dma_start3A_42 = arith.constant 0 : i32
    %dma_start3A_43 = tpu.memref_slice %arg2[%dma_start3A_41, %dma_start3A_42] : memref<4096x16xf32, #tpu.memory_space<hbm>> -> memref<4096x16xf32, #tpu.memory_space<hbm>>
    tpu.enqueue_indirect_dma source(%dma_start3A_43 : memref<4096x16xf32, #tpu.memory_space<hbm>>) target(%dma_start3A_37 : memref<128x16xf32, #tpu.memory_space<vmem>>) offsets(%dma_start3A_40 : memref<128xi32, #tpu.memory_space<vmem>>) semaphore(%arg7 : memref<!tpu.dma_semaphore, #tpu.memory_space<semaphore_mem>>)
    %dma_start3A_44 = arith.constant 4 : i32
    %dma_start3A_45 = arith.constant 512 : i32
    %dma_start3A_46 = arith.constant 0 : i32
    %dma_start3A_47 = tpu.memref_slice %arg6[%dma_start3A_45, %dma_start3A_46] : memref<1536x16xf32, #tpu.memory_space<vmem>> -> memref<128x16xf32, #tpu.memory_space<vmem>>
    %dma_start3A_48 = arith.constant 0 : i32
    %dma_start3A_49 = tpu.memref_slice %arg5[%dma_start3A_44, %dma_start3A_48] : memref<12x128xi32, #tpu.memory_space<vmem>> -> memref<1x128xi32, #tpu.memory_space<vmem>>
    %dma_start3A_50 = tpu.memref_squeeze %dma_start3A_49 : memref<1x128xi32, #tpu.memory_space<vmem>> -> memref<128xi32, #tpu.memory_space<vmem>>
    %dma_start3A_51 = arith.constant 0 : i32
    %dma_start3A_52 = arith.constant 0 : i32
    %dma_start3A_53 = tpu.memref_slice %arg2[%dma_start3A_51, %dma_start3A_52] : memref<4096x16xf32, #tpu.memory_space<hbm>> -> memref<4096x16xf32, #tpu.memory_space<hbm>>
    tpu.enqueue_indirect_dma source(%dma_start3A_53 : memref<4096x16xf32, #tpu.memory_space<hbm>>) target(%dma_start3A_47 : memref<128x16xf32, #tpu.memory_space<vmem>>) offsets(%dma_start3A_50 : memref<128xi32, #tpu.memory_space<vmem>>) semaphore(%arg7 : memref<!tpu.dma_semaphore, #tpu.memory_space<semaphore_mem>>)
    %dma_start3A_54 = arith.constant 5 : i32
    %dma_start3A_55 = arith.constant 640 : i32
    %dma_start3A_56 = arith.constant 0 : i32
    %dma_start3A_57 = tpu.memref_slice %arg6[%dma_start3A_55, %dma_start3A_56] : memref<1536x16xf32, #tpu.memory_space<vmem>> -> memref<128x16xf32, #tpu.memory_space<vmem>>
    %dma_start3A_58 = arith.constant 0 : i32
    %dma_start3A_59 = tpu.memref_slice %arg5[%dma_start3A_54, %dma_start3A_58] : memref<12x128xi32, #tpu.memory_space<vmem>> -> memref<1x128xi32, #tpu.memory_space<vmem>>
    %dma_start3A_60 = tpu.memref_squeeze %dma_start3A_59 : memref<1x128xi32, #tpu.memory_space<vmem>> -> memref<128xi32, #tpu.memory_space<vmem>>
    %dma_start3A_61 = arith.constant 0 : i32
    %dma_start3A_62 = arith.constant 0 : i32
    %dma_start3A_63 = tpu.memref_slice %arg2[%dma_start3A_61, %dma_start3A_62] : memref<4096x16xf32, #tpu.memory_space<hbm>> -> memref<4096x16xf32, #tpu.memory_space<hbm>>
    tpu.enqueue_indirect_dma source(%dma_start3A_63 : memref<4096x16xf32, #tpu.memory_space<hbm>>) target(%dma_start3A_57 : memref<128x16xf32, #tpu.memory_space<vmem>>) offsets(%dma_start3A_60 : memref<128xi32, #tpu.memory_space<vmem>>) semaphore(%arg7 : memref<!tpu.dma_semaphore, #tpu.memory_space<semaphore_mem>>)
    %dma_start3A_64 = arith.constant 6 : i32
    %dma_start3A_65 = arith.constant 768 : i32
    %dma_start3A_66 = arith.constant 0 : i32
    %dma_start3A_67 = tpu.memref_slice %arg6[%dma_start3A_65, %dma_start3A_66] : memref<1536x16xf32, #tpu.memory_space<vmem>> -> memref<128x16xf32, #tpu.memory_space<vmem>>
    %dma_start3A_68 = arith.constant 0 : i32
    %dma_start3A_69 = tpu.memref_slice %arg5[%dma_start3A_64, %dma_start3A_68] : memref<12x128xi32, #tpu.memory_space<vmem>> -> memref<1x128xi32, #tpu.memory_space<vmem>>
    %dma_start3A_70 = tpu.memref_squeeze %dma_start3A_69 : memref<1x128xi32, #tpu.memory_space<vmem>> -> memref<128xi32, #tpu.memory_space<vmem>>
    %dma_start3A_71 = arith.constant 0 : i32
    %dma_start3A_72 = arith.constant 0 : i32
    %dma_start3A_73 = tpu.memref_slice %arg2[%dma_start3A_71, %dma_start3A_72] : memref<4096x16xf32, #tpu.memory_space<hbm>> -> memref<4096x16xf32, #tpu.memory_space<hbm>>
    tpu.enqueue_indirect_dma source(%dma_start3A_73 : memref<4096x16xf32, #tpu.memory_space<hbm>>) target(%dma_start3A_67 : memref<128x16xf32, #tpu.memory_space<vmem>>) offsets(%dma_start3A_70 : memref<128xi32, #tpu.memory_space<vmem>>) semaphore(%arg7 : memref<!tpu.dma_semaphore, #tpu.memory_space<semaphore_mem>>)
    %dma_start3A_74 = arith.constant 7 : i32
    %dma_start3A_75 = arith.constant 896 : i32
    %dma_start3A_76 = arith.constant 0 : i32
    %dma_start3A_77 = tpu.memref_slice %arg6[%dma_start3A_75, %dma_start3A_76] : memref<1536x16xf32, #tpu.memory_space<vmem>> -> memref<128x16xf32, #tpu.memory_space<vmem>>
    %dma_start3A_78 = arith.constant 0 : i32
    %dma_start3A_79 = tpu.memref_slice %arg5[%dma_start3A_74, %dma_start3A_78] : memref<12x128xi32, #tpu.memory_space<vmem>> -> memref<1x128xi32, #tpu.memory_space<vmem>>
    %dma_start3A_80 = tpu.memref_squeeze %dma_start3A_79 : memref<1x128xi32, #tpu.memory_space<vmem>> -> memref<128xi32, #tpu.memory_space<vmem>>
    %dma_start3A_81 = arith.constant 0 : i32
    %dma_start3A_82 = arith.constant 0 : i32
    %dma_start3A_83 = tpu.memref_slice %arg2[%dma_start3A_81, %dma_start3A_82] : memref<4096x16xf32, #tpu.memory_space<hbm>> -> memref<4096x16xf32, #tpu.memory_space<hbm>>
    tpu.enqueue_indirect_dma source(%dma_start3A_83 : memref<4096x16xf32, #tpu.memory_space<hbm>>) target(%dma_start3A_77 : memref<128x16xf32, #tpu.memory_space<vmem>>) offsets(%dma_start3A_80 : memref<128xi32, #tpu.memory_space<vmem>>) semaphore(%arg7 : memref<!tpu.dma_semaphore, #tpu.memory_space<semaphore_mem>>)
    %dma_start3A_84 = arith.constant 8 : i32
    %dma_start3A_85 = arith.constant 1024 : i32
    %dma_start3A_86 = arith.constant 0 : i32
    %dma_start3A_87 = tpu.memref_slice %arg6[%dma_start3A_85, %dma_start3A_86] : memref<1536x16xf32, #tpu.memory_space<vmem>> -> memref<128x16xf32, #tpu.memory_space<vmem>>
    %dma_start3A_88 = arith.constant 0 : i32
    %dma_start3A_89 = tpu.memref_slice %arg5[%dma_start3A_84, %dma_start3A_88] : memref<12x128xi32, #tpu.memory_space<vmem>> -> memref<1x128xi32, #tpu.memory_space<vmem>>
    %dma_start3A_90 = tpu.memref_squeeze %dma_start3A_89 : memref<1x128xi32, #tpu.memory_space<vmem>> -> memref<128xi32, #tpu.memory_space<vmem>>
    %dma_start3A_91 = arith.constant 0 : i32
    %dma_start3A_92 = arith.constant 0 : i32
    %dma_start3A_93 = tpu.memref_slice %arg2[%dma_start3A_91, %dma_start3A_92] : memref<4096x16xf32, #tpu.memory_space<hbm>> -> memref<4096x16xf32, #tpu.memory_space<hbm>>
    tpu.enqueue_indirect_dma source(%dma_start3A_93 : memref<4096x16xf32, #tpu.memory_space<hbm>>) target(%dma_start3A_87 : memref<128x16xf32, #tpu.memory_space<vmem>>) offsets(%dma_start3A_90 : memref<128xi32, #tpu.memory_space<vmem>>) semaphore(%arg7 : memref<!tpu.dma_semaphore, #tpu.memory_space<semaphore_mem>>)
    %dma_start3A_94 = arith.constant 9 : i32
    %dma_start3A_95 = arith.constant 1152 : i32
    %dma_start3A_96 = arith.constant 0 : i32
    %dma_start3A_97 = tpu.memref_slice %arg6[%dma_start3A_95, %dma_start3A_96] : memref<1536x16xf32, #tpu.memory_space<vmem>> -> memref<128x16xf32, #tpu.memory_space<vmem>>
    %dma_start3A_98 = arith.constant 0 : i32
    %dma_start3A_99 = tpu.memref_slice %arg5[%dma_start3A_94, %dma_start3A_98] : memref<12x128xi32, #tpu.memory_space<vmem>> -> memref<1x128xi32, #tpu.memory_space<vmem>>
    %dma_start3A_100 = tpu.memref_squeeze %dma_start3A_99 : memref<1x128xi32, #tpu.memory_space<vmem>> -> memref<128xi32, #tpu.memory_space<vmem>>
    %dma_start3A_101 = arith.constant 0 : i32
    %dma_start3A_102 = arith.constant 0 : i32
    %dma_start3A_103 = tpu.memref_slice %arg2[%dma_start3A_101, %dma_start3A_102] : memref<4096x16xf32, #tpu.memory_space<hbm>> -> memref<4096x16xf32, #tpu.memory_space<hbm>>
    tpu.enqueue_indirect_dma source(%dma_start3A_103 : memref<4096x16xf32, #tpu.memory_space<hbm>>) target(%dma_start3A_97 : memref<128x16xf32, #tpu.memory_space<vmem>>) offsets(%dma_start3A_100 : memref<128xi32, #tpu.memory_space<vmem>>) semaphore(%arg7 : memref<!tpu.dma_semaphore, #tpu.memory_space<semaphore_mem>>)
    %dma_start3A_104 = arith.constant 10 : i32
    %dma_start3A_105 = arith.constant 1280 : i32
    %dma_start3A_106 = arith.constant 0 : i32
    %dma_start3A_107 = tpu.memref_slice %arg6[%dma_start3A_105, %dma_start3A_106] : memref<1536x16xf32, #tpu.memory_space<vmem>> -> memref<128x16xf32, #tpu.memory_space<vmem>>
    %dma_start3A_108 = arith.constant 0 : i32
    %dma_start3A_109 = tpu.memref_slice %arg5[%dma_start3A_104, %dma_start3A_108] : memref<12x128xi32, #tpu.memory_space<vmem>> -> memref<1x128xi32, #tpu.memory_space<vmem>>
    %dma_start3A_110 = tpu.memref_squeeze %dma_start3A_109 : memref<1x128xi32, #tpu.memory_space<vmem>> -> memref<128xi32, #tpu.memory_space<vmem>>
    %dma_start3A_111 = arith.constant 0 : i32
    %dma_start3A_112 = arith.constant 0 : i32
    %dma_start3A_113 = tpu.memref_slice %arg2[%dma_start3A_111, %dma_start3A_112] : memref<4096x16xf32, #tpu.memory_space<hbm>> -> memref<4096x16xf32, #tpu.memory_space<hbm>>
    tpu.enqueue_indirect_dma source(%dma_start3A_113 : memref<4096x16xf32, #tpu.memory_space<hbm>>) target(%dma_start3A_107 : memref<128x16xf32, #tpu.memory_space<vmem>>) offsets(%dma_start3A_110 : memref<128xi32, #tpu.memory_space<vmem>>) semaphore(%arg7 : memref<!tpu.dma_semaphore, #tpu.memory_space<semaphore_mem>>)
    %dma_start3A_114 = arith.constant 11 : i32
    %dma_start3A_115 = arith.constant 1408 : i32
    %dma_start3A_116 = arith.constant 0 : i32
    %dma_start3A_117 = tpu.memref_slice %arg6[%dma_start3A_115, %dma_start3A_116] : memref<1536x16xf32, #tpu.memory_space<vmem>> -> memref<128x16xf32, #tpu.memory_space<vmem>>
    %dma_start3A_118 = arith.constant 0 : i32
    %dma_start3A_119 = tpu.memref_slice %arg5[%dma_start3A_114, %dma_start3A_118] : memref<12x128xi32, #tpu.memory_space<vmem>> -> memref<1x128xi32, #tpu.memory_space<vmem>>
    %dma_start3A_120 = tpu.memref_squeeze %dma_start3A_119 : memref<1x128xi32, #tpu.memory_space<vmem>> -> memref<128xi32, #tpu.memory_space<vmem>>
    %dma_start3A_121 = arith.constant 0 : i32
    %dma_start3A_122 = arith.constant 0 : i32
    %dma_start3A_123 = tpu.memref_slice %arg2[%dma_start3A_121, %dma_start3A_122] : memref<4096x16xf32, #tpu.memory_space<hbm>> -> memref<4096x16xf32, #tpu.memory_space<hbm>>
    tpu.enqueue_indirect_dma source(%dma_start3A_123 : memref<4096x16xf32, #tpu.memory_space<hbm>>) target(%dma_start3A_117 : memref<128x16xf32, #tpu.memory_space<vmem>>) offsets(%dma_start3A_120 : memref<128xi32, #tpu.memory_space<vmem>>) semaphore(%arg7 : memref<!tpu.dma_semaphore, #tpu.memory_space<semaphore_mem>>)
    %dma_wait3A = arith.constant 0 : i32
    %dma_wait3A_124 = arith.constant 0 : i32
    %dma_wait3A_125 = arith.constant 0 : i32
    %dma_wait3A_126 = tpu.memref_slice %arg6[%dma_wait3A_124, %dma_wait3A_125] : memref<1536x16xf32, #tpu.memory_space<vmem>> -> memref<128x16xf32, #tpu.memory_space<vmem>>
    %dma_wait3A_127 = arith.constant 0 : i32
    %dma_wait3A_128 = tpu.memref_slice %arg5[%dma_wait3A, %dma_wait3A_127] : memref<12x128xi32, #tpu.memory_space<vmem>> -> memref<1x128xi32, #tpu.memory_space<vmem>>
    %dma_wait3A_129 = tpu.memref_squeeze %dma_wait3A_128 : memref<1x128xi32, #tpu.memory_space<vmem>> -> memref<128xi32, #tpu.memory_space<vmem>>
    %dma_wait3A_130 = arith.constant 0 : i32
    %dma_wait3A_131 = arith.constant 0 : i32
    %dma_wait3A_132 = tpu.memref_slice %arg2[%dma_wait3A_130, %dma_wait3A_131] : memref<4096x16xf32, #tpu.memory_space<hbm>> -> memref<4096x16xf32, #tpu.memory_space<hbm>>
    tpu.wait_indirect_dma semaphore(%arg7 : memref<!tpu.dma_semaphore, #tpu.memory_space<semaphore_mem>>) src(%dma_wait3A_132 : memref<4096x16xf32, #tpu.memory_space<hbm>>) dst(%dma_wait3A_126 : memref<128x16xf32, #tpu.memory_space<vmem>>)
    %dma_wait3A_133 = arith.constant 1 : i32
    %dma_wait3A_134 = arith.constant 128 : i32
    %dma_wait3A_135 = arith.constant 0 : i32
    %dma_wait3A_136 = tpu.memref_slice %arg6[%dma_wait3A_134, %dma_wait3A_135] : memref<1536x16xf32, #tpu.memory_space<vmem>> -> memref<128x16xf32, #tpu.memory_space<vmem>>
    %dma_wait3A_137 = arith.constant 0 : i32
    %dma_wait3A_138 = tpu.memref_slice %arg5[%dma_wait3A_133, %dma_wait3A_137] : memref<12x128xi32, #tpu.memory_space<vmem>> -> memref<1x128xi32, #tpu.memory_space<vmem>>
    %dma_wait3A_139 = tpu.memref_squeeze %dma_wait3A_138 : memref<1x128xi32, #tpu.memory_space<vmem>> -> memref<128xi32, #tpu.memory_space<vmem>>
    %dma_wait3A_140 = arith.constant 0 : i32
    %dma_wait3A_141 = arith.constant 0 : i32
    %dma_wait3A_142 = tpu.memref_slice %arg2[%dma_wait3A_140, %dma_wait3A_141] : memref<4096x16xf32, #tpu.memory_space<hbm>> -> memref<4096x16xf32, #tpu.memory_space<hbm>>
    tpu.wait_indirect_dma semaphore(%arg7 : memref<!tpu.dma_semaphore, #tpu.memory_space<semaphore_mem>>) src(%dma_wait3A_142 : memref<4096x16xf32, #tpu.memory_space<hbm>>) dst(%dma_wait3A_136 : memref<128x16xf32, #tpu.memory_space<vmem>>)
    %dma_wait3A_143 = arith.constant 2 : i32
    %dma_wait3A_144 = arith.constant 256 : i32
    %dma_wait3A_145 = arith.constant 0 : i32
    %dma_wait3A_146 = tpu.memref_slice %arg6[%dma_wait3A_144, %dma_wait3A_145] : memref<1536x16xf32, #tpu.memory_space<vmem>> -> memref<128x16xf32, #tpu.memory_space<vmem>>
    %dma_wait3A_147 = arith.constant 0 : i32
    %dma_wait3A_148 = tpu.memref_slice %arg5[%dma_wait3A_143, %dma_wait3A_147] : memref<12x128xi32, #tpu.memory_space<vmem>> -> memref<1x128xi32, #tpu.memory_space<vmem>>
    %dma_wait3A_149 = tpu.memref_squeeze %dma_wait3A_148 : memref<1x128xi32, #tpu.memory_space<vmem>> -> memref<128xi32, #tpu.memory_space<vmem>>
    %dma_wait3A_150 = arith.constant 0 : i32
    %dma_wait3A_151 = arith.constant 0 : i32
    %dma_wait3A_152 = tpu.memref_slice %arg2[%dma_wait3A_150, %dma_wait3A_151] : memref<4096x16xf32, #tpu.memory_space<hbm>> -> memref<4096x16xf32, #tpu.memory_space<hbm>>
    tpu.wait_indirect_dma semaphore(%arg7 : memref<!tpu.dma_semaphore, #tpu.memory_space<semaphore_mem>>) src(%dma_wait3A_152 : memref<4096x16xf32, #tpu.memory_space<hbm>>) dst(%dma_wait3A_146 : memref<128x16xf32, #tpu.memory_space<vmem>>)
    %dma_wait3A_153 = arith.constant 3 : i32
    %dma_wait3A_154 = arith.constant 384 : i32
    %dma_wait3A_155 = arith.constant 0 : i32
    %dma_wait3A_156 = tpu.memref_slice %arg6[%dma_wait3A_154, %dma_wait3A_155] : memref<1536x16xf32, #tpu.memory_space<vmem>> -> memref<128x16xf32, #tpu.memory_space<vmem>>
    %dma_wait3A_157 = arith.constant 0 : i32
    %dma_wait3A_158 = tpu.memref_slice %arg5[%dma_wait3A_153, %dma_wait3A_157] : memref<12x128xi32, #tpu.memory_space<vmem>> -> memref<1x128xi32, #tpu.memory_space<vmem>>
    %dma_wait3A_159 = tpu.memref_squeeze %dma_wait3A_158 : memref<1x128xi32, #tpu.memory_space<vmem>> -> memref<128xi32, #tpu.memory_space<vmem>>
    %dma_wait3A_160 = arith.constant 0 : i32
    %dma_wait3A_161 = arith.constant 0 : i32
    %dma_wait3A_162 = tpu.memref_slice %arg2[%dma_wait3A_160, %dma_wait3A_161] : memref<4096x16xf32, #tpu.memory_space<hbm>> -> memref<4096x16xf32, #tpu.memory_space<hbm>>
    tpu.wait_indirect_dma semaphore(%arg7 : memref<!tpu.dma_semaphore, #tpu.memory_space<semaphore_mem>>) src(%dma_wait3A_162 : memref<4096x16xf32, #tpu.memory_space<hbm>>) dst(%dma_wait3A_156 : memref<128x16xf32, #tpu.memory_space<vmem>>)
    %dma_wait3A_163 = arith.constant 4 : i32
    %dma_wait3A_164 = arith.constant 512 : i32
    %dma_wait3A_165 = arith.constant 0 : i32
    %dma_wait3A_166 = tpu.memref_slice %arg6[%dma_wait3A_164, %dma_wait3A_165] : memref<1536x16xf32, #tpu.memory_space<vmem>> -> memref<128x16xf32, #tpu.memory_space<vmem>>
    %dma_wait3A_167 = arith.constant 0 : i32
    %dma_wait3A_168 = tpu.memref_slice %arg5[%dma_wait3A_163, %dma_wait3A_167] : memref<12x128xi32, #tpu.memory_space<vmem>> -> memref<1x128xi32, #tpu.memory_space<vmem>>
    %dma_wait3A_169 = tpu.memref_squeeze %dma_wait3A_168 : memref<1x128xi32, #tpu.memory_space<vmem>> -> memref<128xi32, #tpu.memory_space<vmem>>
    %dma_wait3A_170 = arith.constant 0 : i32
    %dma_wait3A_171 = arith.constant 0 : i32
    %dma_wait3A_172 = tpu.memref_slice %arg2[%dma_wait3A_170, %dma_wait3A_171] : memref<4096x16xf32, #tpu.memory_space<hbm>> -> memref<4096x16xf32, #tpu.memory_space<hbm>>
    tpu.wait_indirect_dma semaphore(%arg7 : memref<!tpu.dma_semaphore, #tpu.memory_space<semaphore_mem>>) src(%dma_wait3A_172 : memref<4096x16xf32, #tpu.memory_space<hbm>>) dst(%dma_wait3A_166 : memref<128x16xf32, #tpu.memory_space<vmem>>)
    %dma_wait3A_173 = arith.constant 5 : i32
    %dma_wait3A_174 = arith.constant 640 : i32
    %dma_wait3A_175 = arith.constant 0 : i32
    %dma_wait3A_176 = tpu.memref_slice %arg6[%dma_wait3A_174, %dma_wait3A_175] : memref<1536x16xf32, #tpu.memory_space<vmem>> -> memref<128x16xf32, #tpu.memory_space<vmem>>
    %dma_wait3A_177 = arith.constant 0 : i32
    %dma_wait3A_178 = tpu.memref_slice %arg5[%dma_wait3A_173, %dma_wait3A_177] : memref<12x128xi32, #tpu.memory_space<vmem>> -> memref<1x128xi32, #tpu.memory_space<vmem>>
    %dma_wait3A_179 = tpu.memref_squeeze %dma_wait3A_178 : memref<1x128xi32, #tpu.memory_space<vmem>> -> memref<128xi32, #tpu.memory_space<vmem>>
    %dma_wait3A_180 = arith.constant 0 : i32
    %dma_wait3A_181 = arith.constant 0 : i32
    %dma_wait3A_182 = tpu.memref_slice %arg2[%dma_wait3A_180, %dma_wait3A_181] : memref<4096x16xf32, #tpu.memory_space<hbm>> -> memref<4096x16xf32, #tpu.memory_space<hbm>>
    tpu.wait_indirect_dma semaphore(%arg7 : memref<!tpu.dma_semaphore, #tpu.memory_space<semaphore_mem>>) src(%dma_wait3A_182 : memref<4096x16xf32, #tpu.memory_space<hbm>>) dst(%dma_wait3A_176 : memref<128x16xf32, #tpu.memory_space<vmem>>)
    %dma_wait3A_183 = arith.constant 6 : i32
    %dma_wait3A_184 = arith.constant 768 : i32
    %dma_wait3A_185 = arith.constant 0 : i32
    %dma_wait3A_186 = tpu.memref_slice %arg6[%dma_wait3A_184, %dma_wait3A_185] : memref<1536x16xf32, #tpu.memory_space<vmem>> -> memref<128x16xf32, #tpu.memory_space<vmem>>
    %dma_wait3A_187 = arith.constant 0 : i32
    %dma_wait3A_188 = tpu.memref_slice %arg5[%dma_wait3A_183, %dma_wait3A_187] : memref<12x128xi32, #tpu.memory_space<vmem>> -> memref<1x128xi32, #tpu.memory_space<vmem>>
    %dma_wait3A_189 = tpu.memref_squeeze %dma_wait3A_188 : memref<1x128xi32, #tpu.memory_space<vmem>> -> memref<128xi32, #tpu.memory_space<vmem>>
    %dma_wait3A_190 = arith.constant 0 : i32
    %dma_wait3A_191 = arith.constant 0 : i32
    %dma_wait3A_192 = tpu.memref_slice %arg2[%dma_wait3A_190, %dma_wait3A_191] : memref<4096x16xf32, #tpu.memory_space<hbm>> -> memref<4096x16xf32, #tpu.memory_space<hbm>>
    tpu.wait_indirect_dma semaphore(%arg7 : memref<!tpu.dma_semaphore, #tpu.memory_space<semaphore_mem>>) src(%dma_wait3A_192 : memref<4096x16xf32, #tpu.memory_space<hbm>>) dst(%dma_wait3A_186 : memref<128x16xf32, #tpu.memory_space<vmem>>)
    %dma_wait3A_193 = arith.constant 7 : i32
    %dma_wait3A_194 = arith.constant 896 : i32
    %dma_wait3A_195 = arith.constant 0 : i32
    %dma_wait3A_196 = tpu.memref_slice %arg6[%dma_wait3A_194, %dma_wait3A_195] : memref<1536x16xf32, #tpu.memory_space<vmem>> -> memref<128x16xf32, #tpu.memory_space<vmem>>
    %dma_wait3A_197 = arith.constant 0 : i32
    %dma_wait3A_198 = tpu.memref_slice %arg5[%dma_wait3A_193, %dma_wait3A_197] : memref<12x128xi32, #tpu.memory_space<vmem>> -> memref<1x128xi32, #tpu.memory_space<vmem>>
    %dma_wait3A_199 = tpu.memref_squeeze %dma_wait3A_198 : memref<1x128xi32, #tpu.memory_space<vmem>> -> memref<128xi32, #tpu.memory_space<vmem>>
    %dma_wait3A_200 = arith.constant 0 : i32
    %dma_wait3A_201 = arith.constant 0 : i32
    %dma_wait3A_202 = tpu.memref_slice %arg2[%dma_wait3A_200, %dma_wait3A_201] : memref<4096x16xf32, #tpu.memory_space<hbm>> -> memref<4096x16xf32, #tpu.memory_space<hbm>>
    tpu.wait_indirect_dma semaphore(%arg7 : memref<!tpu.dma_semaphore, #tpu.memory_space<semaphore_mem>>) src(%dma_wait3A_202 : memref<4096x16xf32, #tpu.memory_space<hbm>>) dst(%dma_wait3A_196 : memref<128x16xf32, #tpu.memory_space<vmem>>)
    %dma_wait3A_203 = arith.constant 8 : i32
    %dma_wait3A_204 = arith.constant 1024 : i32
    %dma_wait3A_205 = arith.constant 0 : i32
    %dma_wait3A_206 = tpu.memref_slice %arg6[%dma_wait3A_204, %dma_wait3A_205] : memref<1536x16xf32, #tpu.memory_space<vmem>> -> memref<128x16xf32, #tpu.memory_space<vmem>>
    %dma_wait3A_207 = arith.constant 0 : i32
    %dma_wait3A_208 = tpu.memref_slice %arg5[%dma_wait3A_203, %dma_wait3A_207] : memref<12x128xi32, #tpu.memory_space<vmem>> -> memref<1x128xi32, #tpu.memory_space<vmem>>
    %dma_wait3A_209 = tpu.memref_squeeze %dma_wait3A_208 : memref<1x128xi32, #tpu.memory_space<vmem>> -> memref<128xi32, #tpu.memory_space<vmem>>
    %dma_wait3A_210 = arith.constant 0 : i32
    %dma_wait3A_211 = arith.constant 0 : i32
    %dma_wait3A_212 = tpu.memref_slice %arg2[%dma_wait3A_210, %dma_wait3A_211] : memref<4096x16xf32, #tpu.memory_space<hbm>> -> memref<4096x16xf32, #tpu.memory_space<hbm>>
    tpu.wait_indirect_dma semaphore(%arg7 : memref<!tpu.dma_semaphore, #tpu.memory_space<semaphore_mem>>) src(%dma_wait3A_212 : memref<4096x16xf32, #tpu.memory_space<hbm>>) dst(%dma_wait3A_206 : memref<128x16xf32, #tpu.memory_space<vmem>>)
    %dma_wait3A_213 = arith.constant 9 : i32
    %dma_wait3A_214 = arith.constant 1152 : i32
    %dma_wait3A_215 = arith.constant 0 : i32
    %dma_wait3A_216 = tpu.memref_slice %arg6[%dma_wait3A_214, %dma_wait3A_215] : memref<1536x16xf32, #tpu.memory_space<vmem>> -> memref<128x16xf32, #tpu.memory_space<vmem>>
    %dma_wait3A_217 = arith.constant 0 : i32
    %dma_wait3A_218 = tpu.memref_slice %arg5[%dma_wait3A_213, %dma_wait3A_217] : memref<12x128xi32, #tpu.memory_space<vmem>> -> memref<1x128xi32, #tpu.memory_space<vmem>>
    %dma_wait3A_219 = tpu.memref_squeeze %dma_wait3A_218 : memref<1x128xi32, #tpu.memory_space<vmem>> -> memref<128xi32, #tpu.memory_space<vmem>>
    %dma_wait3A_220 = arith.constant 0 : i32
    %dma_wait3A_221 = arith.constant 0 : i32
    %dma_wait3A_222 = tpu.memref_slice %arg2[%dma_wait3A_220, %dma_wait3A_221] : memref<4096x16xf32, #tpu.memory_space<hbm>> -> memref<4096x16xf32, #tpu.memory_space<hbm>>
    tpu.wait_indirect_dma semaphore(%arg7 : memref<!tpu.dma_semaphore, #tpu.memory_space<semaphore_mem>>) src(%dma_wait3A_222 : memref<4096x16xf32, #tpu.memory_space<hbm>>) dst(%dma_wait3A_216 : memref<128x16xf32, #tpu.memory_space<vmem>>)
    %dma_wait3A_223 = arith.constant 10 : i32
    %dma_wait3A_224 = arith.constant 1280 : i32
    %dma_wait3A_225 = arith.constant 0 : i32
    %dma_wait3A_226 = tpu.memref_slice %arg6[%dma_wait3A_224, %dma_wait3A_225] : memref<1536x16xf32, #tpu.memory_space<vmem>> -> memref<128x16xf32, #tpu.memory_space<vmem>>
    %dma_wait3A_227 = arith.constant 0 : i32
    %dma_wait3A_228 = tpu.memref_slice %arg5[%dma_wait3A_223, %dma_wait3A_227] : memref<12x128xi32, #tpu.memory_space<vmem>> -> memref<1x128xi32, #tpu.memory_space<vmem>>
    %dma_wait3A_229 = tpu.memref_squeeze %dma_wait3A_228 : memref<1x128xi32, #tpu.memory_space<vmem>> -> memref<128xi32, #tpu.memory_space<vmem>>
    %dma_wait3A_230 = arith.constant 0 : i32
    %dma_wait3A_231 = arith.constant 0 : i32
    %dma_wait3A_232 = tpu.memref_slice %arg2[%dma_wait3A_230, %dma_wait3A_231] : memref<4096x16xf32, #tpu.memory_space<hbm>> -> memref<4096x16xf32, #tpu.memory_space<hbm>>
    tpu.wait_indirect_dma semaphore(%arg7 : memref<!tpu.dma_semaphore, #tpu.memory_space<semaphore_mem>>) src(%dma_wait3A_232 : memref<4096x16xf32, #tpu.memory_space<hbm>>) dst(%dma_wait3A_226 : memref<128x16xf32, #tpu.memory_space<vmem>>)
    %dma_wait3A_233 = arith.constant 11 : i32
    %dma_wait3A_234 = arith.constant 1408 : i32
    %dma_wait3A_235 = arith.constant 0 : i32
    %dma_wait3A_236 = tpu.memref_slice %arg6[%dma_wait3A_234, %dma_wait3A_235] : memref<1536x16xf32, #tpu.memory_space<vmem>> -> memref<128x16xf32, #tpu.memory_space<vmem>>
    %dma_wait3A_237 = arith.constant 0 : i32
    %dma_wait3A_238 = tpu.memref_slice %arg5[%dma_wait3A_233, %dma_wait3A_237] : memref<12x128xi32, #tpu.memory_space<vmem>> -> memref<1x128xi32, #tpu.memory_space<vmem>>
    %dma_wait3A_239 = tpu.memref_squeeze %dma_wait3A_238 : memref<1x128xi32, #tpu.memory_space<vmem>> -> memref<128xi32, #tpu.memory_space<vmem>>
    %dma_wait3A_240 = arith.constant 0 : i32
    %dma_wait3A_241 = arith.constant 0 : i32
    %dma_wait3A_242 = tpu.memref_slice %arg2[%dma_wait3A_240, %dma_wait3A_241] : memref<4096x16xf32, #tpu.memory_space<hbm>> -> memref<4096x16xf32, #tpu.memory_space<hbm>>
    tpu.wait_indirect_dma semaphore(%arg7 : memref<!tpu.dma_semaphore, #tpu.memory_space<semaphore_mem>>) src(%dma_wait3A_242 : memref<4096x16xf32, #tpu.memory_space<hbm>>) dst(%dma_wait3A_236 : memref<128x16xf32, #tpu.memory_space<vmem>>)
    "tpu.region"() ({
      %run_scoped3A = tpu.sem_alloc : memref<!tpu.dma_semaphore, #tpu.memory_space<semaphore_mem>>
      %dma_start3A_243 = arith.constant 0 : i32
      %dma_start3A_244 = tpu.memref_slice %arg4[%mul3A_2, %dma_start3A_243] : memref<49152x16xf32, #tpu.memory_space<hbm>> -> memref<1536x16xf32, #tpu.memory_space<hbm>>
      %dma_start3A_245 = arith.constant 0 : i32
      %dma_start3A_246 = tpu.memref_slice %arg4[%mul3A_2, %dma_start3A_245] : memref<49152x16xf32, #tpu.memory_space<hbm>> -> memref<1536x16xf32, #tpu.memory_space<hbm>>
      tpu.enqueue_dma source(%arg6 : memref<1536x16xf32, #tpu.memory_space<vmem>>) target(%dma_start3A_246 : memref<1536x16xf32, #tpu.memory_space<hbm>>) target_semaphore(%run_scoped3A : memref<!tpu.dma_semaphore, #tpu.memory_space<semaphore_mem>>)
      %dma_wait3A_247 = arith.constant 0 : i32
      %dma_wait3A_248 = tpu.memref_slice %arg4[%mul3A_2, %dma_wait3A_247] : memref<49152x16xf32, #tpu.memory_space<hbm>> -> memref<1536x16xf32, #tpu.memory_space<hbm>>
      %dma_wait3A_249 = arith.constant 0 : i32
      %dma_wait3A_250 = tpu.memref_slice %arg4[%mul3A_2, %dma_wait3A_249] : memref<49152x16xf32, #tpu.memory_space<hbm>> -> memref<1536x16xf32, #tpu.memory_space<hbm>>
      tpu.wait_dma2 semaphore(%run_scoped3A : memref<!tpu.dma_semaphore, #tpu.memory_space<semaphore_mem>>) src(%arg6 : memref<1536x16xf32, #tpu.memory_space<vmem>>) dst(%dma_wait3A_250 : memref<1536x16xf32, #tpu.memory_space<hbm>>)
      tpu.yield
    }) : () -> ()
    return
  }
}

#map = affine_map<(d0, d1) -> (0, 0)>
module attributes {stable_mosaic.version = 14 : i64} {
  func.func @gather_k(%arg0: i32, %arg1: i32, %arg2: memref<4096x16xf32, #tpu.memory_space<hbm>>, %arg3: memref<384x128xi32, #tpu.memory_space<hbm>>, %arg4: memref<49152x16xf32, #tpu.memory_space<hbm>>, %arg5: memref<12x128xi32, #tpu.memory_space<vmem>>, %arg6: memref<1536x16xf32, #tpu.memory_space<vmem>>, %arg7: memref<!tpu.dma_semaphore, #tpu.memory_space<semaphore_mem>>) attributes {dimension_semantics = [#tpu.dimension_semantics<core_parallel>, #tpu.dimension_semantics<subcore_parallel>], iteration_bounds = array<i64: 2, 16>, scalar_prefetch = 0 : i64, scratch_operands = 3 : i64, tpu.core_type = #tpu.core_type<sc_vector_subcore>, window_params = [{transform_indices = #map}, {transform_indices = #map}, {transform_indices = #map}]} {
    %mul3A = arith.constant 2 : i32
    %mul3A_0 = arith.muli %arg1, %mul3A : i32
    %add3A = arith.addi %mul3A_0, %arg0 : i32
    %mul3A_1 = arith.constant 1536 : i32
    %mul3A_2 = arith.muli %add3A, %mul3A_1 : i32
    %mul3A_3 = arith.constant 12 : i32
    %mul3A_4 = arith.muli %add3A, %mul3A_3 : i32
    "tpu.region"() ({
      %run_scoped3A = tpu.sem_alloc : memref<!tpu.dma_semaphore, #tpu.memory_space<semaphore_mem>>
      %dma_start3A_243 = arith.constant 0 : i32
      %dma_start3A_244 = tpu.memref_slice %arg3[%mul3A_4, %dma_start3A_243] : memref<384x128xi32, #tpu.memory_space<hbm>> -> memref<12x128xi32, #tpu.memory_space<hbm>>
      %dma_start3A_245 = arith.constant 0 : i32
      %dma_start3A_246 = tpu.memref_slice %arg3[%mul3A_4, %dma_start3A_245] : memref<384x128xi32, #tpu.memory_space<hbm>> -> memref<12x128xi32, #tpu.memory_space<hbm>>
      tpu.enqueue_dma source(%dma_start3A_246 : memref<12x128xi32, #tpu.memory_space<hbm>>) target(%arg5 : memref<12x128xi32, #tpu.memory_space<vmem>>) target_semaphore(%run_scoped3A : memref<!tpu.dma_semaphore, #tpu.memory_space<semaphore_mem>>)
      %dma_wait3A_247 = arith.constant 0 : i32
      %dma_wait3A_248 = tpu.memref_slice %arg3[%mul3A_4, %dma_wait3A_247] : memref<384x128xi32, #tpu.memory_space<hbm>> -> memref<12x128xi32, #tpu.memory_space<hbm>>
      %dma_wait3A_249 = arith.constant 0 : i32
      %dma_wait3A_250 = tpu.memref_slice %arg3[%mul3A_4, %dma_wait3A_249] : memref<384x128xi32, #tpu.memory_space<hbm>> -> memref<12x128xi32, #tpu.memory_space<hbm>>
      tpu.wait_dma2 semaphore(%run_scoped3A : memref<!tpu.dma_semaphore, #tpu.memory_space<semaphore_mem>>) src(%dma_wait3A_250 : memref<12x128xi32, #tpu.memory_space<hbm>>) dst(%arg5 : memref<12x128xi32, #tpu.memory_space<vmem>>)
      tpu.yield
    }) : () -> ()
    %dma_start3A = arith.constant 0 : i32
    %dma_start3A_5 = arith.constant 0 : i32
    %dma_start3A_6 = arith.constant 0 : i32
    %dma_start3A_7 = tpu.memref_slice %arg6[%dma_start3A_5, %dma_start3A_6] : memref<1536x16xf32, #tpu.memory_space<vmem>> -> memref<128x16xf32, #tpu.memory_space<vmem>>
    %dma_start3A_8 = arith.constant 0 : i32
    %dma_start3A_9 = tpu.memref_slice %arg5[%dma_start3A, %dma_start3A_8] : memref<12x128xi32, #tpu.memory_space<vmem>> -> memref<1x128xi32, #tpu.memory_space<vmem>>
    %dma_start3A_10 = tpu.memref_squeeze %dma_start3A_9 : memref<1x128xi32, #tpu.memory_space<vmem>> -> memref<128xi32, #tpu.memory_space<vmem>>
    %dma_start3A_11 = arith.constant 0 : i32
    %dma_start3A_12 = arith.constant 0 : i32
    %dma_start3A_13 = tpu.memref_slice %arg2[%dma_start3A_11, %dma_start3A_12] : memref<4096x16xf32, #tpu.memory_space<hbm>> -> memref<4096x16xf32, #tpu.memory_space<hbm>>
    tpu.enqueue_indirect_dma source(%dma_start3A_13 : memref<4096x16xf32, #tpu.memory_space<hbm>>) target(%dma_start3A_7 : memref<128x16xf32, #tpu.memory_space<vmem>>) offsets(%dma_start3A_10 : memref<128xi32, #tpu.memory_space<vmem>>) semaphore(%arg7 : memref<!tpu.dma_semaphore, #tpu.memory_space<semaphore_mem>>)
    %dma_start3A_14 = arith.constant 1 : i32
    %dma_start3A_15 = arith.constant 128 : i32
    %dma_start3A_16 = arith.constant 0 : i32
    %dma_start3A_17 = tpu.memref_slice %arg6[%dma_start3A_15, %dma_start3A_16] : memref<1536x16xf32, #tpu.memory_space<vmem>> -> memref<128x16xf32, #tpu.memory_space<vmem>>
    %dma_start3A_18 = arith.constant 0 : i32
    %dma_start3A_19 = tpu.memref_slice %arg5[%dma_start3A_14, %dma_start3A_18] : memref<12x128xi32, #tpu.memory_space<vmem>> -> memref<1x128xi32, #tpu.memory_space<vmem>>
    %dma_start3A_20 = tpu.memref_squeeze %dma_start3A_19 : memref<1x128xi32, #tpu.memory_space<vmem>> -> memref<128xi32, #tpu.memory_space<vmem>>
    %dma_start3A_21 = arith.constant 0 : i32
    %dma_start3A_22 = arith.constant 0 : i32
    %dma_start3A_23 = tpu.memref_slice %arg2[%dma_start3A_21, %dma_start3A_22] : memref<4096x16xf32, #tpu.memory_space<hbm>> -> memref<4096x16xf32, #tpu.memory_space<hbm>>
    tpu.enqueue_indirect_dma source(%dma_start3A_23 : memref<4096x16xf32, #tpu.memory_space<hbm>>) target(%dma_start3A_17 : memref<128x16xf32, #tpu.memory_space<vmem>>) offsets(%dma_start3A_20 : memref<128xi32, #tpu.memory_space<vmem>>) semaphore(%arg7 : memref<!tpu.dma_semaphore, #tpu.memory_space<semaphore_mem>>)
    %dma_start3A_24 = arith.constant 2 : i32
    %dma_start3A_25 = arith.constant 256 : i32
    %dma_start3A_26 = arith.constant 0 : i32
    %dma_start3A_27 = tpu.memref_slice %arg6[%dma_start3A_25, %dma_start3A_26] : memref<1536x16xf32, #tpu.memory_space<vmem>> -> memref<128x16xf32, #tpu.memory_space<vmem>>
    %dma_start3A_28 = arith.constant 0 : i32
    %dma_start3A_29 = tpu.memref_slice %arg5[%dma_start3A_24, %dma_start3A_28] : memref<12x128xi32, #tpu.memory_space<vmem>> -> memref<1x128xi32, #tpu.memory_space<vmem>>
    %dma_start3A_30 = tpu.memref_squeeze %dma_start3A_29 : memref<1x128xi32, #tpu.memory_space<vmem>> -> memref<128xi32, #tpu.memory_space<vmem>>
    %dma_start3A_31 = arith.constant 0 : i32
    %dma_start3A_32 = arith.constant 0 : i32
    %dma_start3A_33 = tpu.memref_slice %arg2[%dma_start3A_31, %dma_start3A_32] : memref<4096x16xf32, #tpu.memory_space<hbm>> -> memref<4096x16xf32, #tpu.memory_space<hbm>>
    tpu.enqueue_indirect_dma source(%dma_start3A_33 : memref<4096x16xf32, #tpu.memory_space<hbm>>) target(%dma_start3A_27 : memref<128x16xf32, #tpu.memory_space<vmem>>) offsets(%dma_start3A_30 : memref<128xi32, #tpu.memory_space<vmem>>) semaphore(%arg7 : memref<!tpu.dma_semaphore, #tpu.memory_space<semaphore_mem>>)
    %dma_start3A_34 = arith.constant 3 : i32
    %dma_start3A_35 = arith.constant 384 : i32
    %dma_start3A_36 = arith.constant 0 : i32
    %dma_start3A_37 = tpu.memref_slice %arg6[%dma_start3A_35, %dma_start3A_36] : memref<1536x16xf32, #tpu.memory_space<vmem>> -> memref<128x16xf32, #tpu.memory_space<vmem>>
    %dma_start3A_38 = arith.constant 0 : i32
    %dma_start3A_39 = tpu.memref_slice %arg5[%dma_start3A_34, %dma_start3A_38] : memref<12x128xi32, #tpu.memory_space<vmem>> -> memref<1x128xi32, #tpu.memory_space<vmem>>
    %dma_start3A_40 = tpu.memref_squeeze %dma_start3A_39 : memref<1x128xi32, #tpu.memory_space<vmem>> -> memref<128xi32, #tpu.memory_space<vmem>>
    %dma_start3A_41 = arith.constant 0 : i32
    %dma_start3A_42 = arith.constant 0 : i32
    %dma_start3A_43 = tpu.memref_slice %arg2[%dma_start3A_41, %dma_start3A_42] : memref<4096x16xf32, #tpu.memory_space<hbm>> -> memref<4096x16xf32, #tpu.memory_space<hbm>>
    tpu.enqueue_indirect_dma source(%dma_start3A_43 : memref<4096x16xf32, #tpu.memory_space<hbm>>) target(%dma_start3A_37 : memref<128x16xf32, #tpu.memory_space<vmem>>) offsets(%dma_start3A_40 : memref<128xi32, #tpu.memory_space<vmem>>) semaphore(%arg7 : memref<!tpu.dma_semaphore, #tpu.memory_space<semaphore_mem>>)
    %dma_start3A_44 = arith.constant 4 : i32
    %dma_start3A_45 = arith.constant 512 : i32
    %dma_start3A_46 = arith.constant 0 : i32
    %dma_start3A_47 = tpu.memref_slice %arg6[%dma_start3A_45, %dma_start3A_46] : memref<1536x16xf32, #tpu.memory_space<vmem>> -> memref<128x16xf32, #tpu.memory_space<vmem>>
    %dma_start3A_48 = arith.constant 0 : i32
    %dma_start3A_49 = tpu.memref_slice %arg5[%dma_start3A_44, %dma_start3A_48] : memref<12x128xi32, #tpu.memory_space<vmem>> -> memref<1x128xi32, #tpu.memory_space<vmem>>
    %dma_start3A_50 = tpu.memref_squeeze %dma_start3A_49 : memref<1x128xi32, #tpu.memory_space<vmem>> -> memref<128xi32, #tpu.memory_space<vmem>>
    %dma_start3A_51 = arith.constant 0 : i32
    %dma_start3A_52 = arith.constant 0 : i32
    %dma_start3A_53 = tpu.memref_slice %arg2[%dma_start3A_51, %dma_start3A_52] : memref<4096x16xf32, #tpu.memory_space<hbm>> -> memref<4096x16xf32, #tpu.memory_space<hbm>>
    tpu.enqueue_indirect_dma source(%dma_start3A_53 : memref<4096x16xf32, #tpu.memory_space<hbm>>) target(%dma_start3A_47 : memref<128x16xf32, #tpu.memory_space<vmem>>) offsets(%dma_start3A_50 : memref<128xi32, #tpu.memory_space<vmem>>) semaphore(%arg7 : memref<!tpu.dma_semaphore, #tpu.memory_space<semaphore_mem>>)
    %dma_start3A_54 = arith.constant 5 : i32
    %dma_start3A_55 = arith.constant 640 : i32
    %dma_start3A_56 = arith.constant 0 : i32
    %dma_start3A_57 = tpu.memref_slice %arg6[%dma_start3A_55, %dma_start3A_56] : memref<1536x16xf32, #tpu.memory_space<vmem>> -> memref<128x16xf32, #tpu.memory_space<vmem>>
    %dma_start3A_58 = arith.constant 0 : i32
    %dma_start3A_59 = tpu.memref_slice %arg5[%dma_start3A_54, %dma_start3A_58] : memref<12x128xi32, #tpu.memory_space<vmem>> -> memref<1x128xi32, #tpu.memory_space<vmem>>
    %dma_start3A_60 = tpu.memref_squeeze %dma_start3A_59 : memref<1x128xi32, #tpu.memory_space<vmem>> -> memref<128xi32, #tpu.memory_space<vmem>>
    %dma_start3A_61 = arith.constant 0 : i32
    %dma_start3A_62 = arith.constant 0 : i32
    %dma_start3A_63 = tpu.memref_slice %arg2[%dma_start3A_61, %dma_start3A_62] : memref<4096x16xf32, #tpu.memory_space<hbm>> -> memref<4096x16xf32, #tpu.memory_space<hbm>>
    tpu.enqueue_indirect_dma source(%dma_start3A_63 : memref<4096x16xf32, #tpu.memory_space<hbm>>) target(%dma_start3A_57 : memref<128x16xf32, #tpu.memory_space<vmem>>) offsets(%dma_start3A_60 : memref<128xi32, #tpu.memory_space<vmem>>) semaphore(%arg7 : memref<!tpu.dma_semaphore, #tpu.memory_space<semaphore_mem>>)
    %dma_start3A_64 = arith.constant 6 : i32
    %dma_start3A_65 = arith.constant 768 : i32
    %dma_start3A_66 = arith.constant 0 : i32
    %dma_start3A_67 = tpu.memref_slice %arg6[%dma_start3A_65, %dma_start3A_66] : memref<1536x16xf32, #tpu.memory_space<vmem>> -> memref<128x16xf32, #tpu.memory_space<vmem>>
    %dma_start3A_68 = arith.constant 0 : i32
    %dma_start3A_69 = tpu.memref_slice %arg5[%dma_start3A_64, %dma_start3A_68] : memref<12x128xi32, #tpu.memory_space<vmem>> -> memref<1x128xi32, #tpu.memory_space<vmem>>
    %dma_start3A_70 = tpu.memref_squeeze %dma_start3A_69 : memref<1x128xi32, #tpu.memory_space<vmem>> -> memref<128xi32, #tpu.memory_space<vmem>>
    %dma_start3A_71 = arith.constant 0 : i32
    %dma_start3A_72 = arith.constant 0 : i32
    %dma_start3A_73 = tpu.memref_slice %arg2[%dma_start3A_71, %dma_start3A_72] : memref<4096x16xf32, #tpu.memory_space<hbm>> -> memref<4096x16xf32, #tpu.memory_space<hbm>>
    tpu.enqueue_indirect_dma source(%dma_start3A_73 : memref<4096x16xf32, #tpu.memory_space<hbm>>) target(%dma_start3A_67 : memref<128x16xf32, #tpu.memory_space<vmem>>) offsets(%dma_start3A_70 : memref<128xi32, #tpu.memory_space<vmem>>) semaphore(%arg7 : memref<!tpu.dma_semaphore, #tpu.memory_space<semaphore_mem>>)
    %dma_start3A_74 = arith.constant 7 : i32
    %dma_start3A_75 = arith.constant 896 : i32
    %dma_start3A_76 = arith.constant 0 : i32
    %dma_start3A_77 = tpu.memref_slice %arg6[%dma_start3A_75, %dma_start3A_76] : memref<1536x16xf32, #tpu.memory_space<vmem>> -> memref<128x16xf32, #tpu.memory_space<vmem>>
    %dma_start3A_78 = arith.constant 0 : i32
    %dma_start3A_79 = tpu.memref_slice %arg5[%dma_start3A_74, %dma_start3A_78] : memref<12x128xi32, #tpu.memory_space<vmem>> -> memref<1x128xi32, #tpu.memory_space<vmem>>
    %dma_start3A_80 = tpu.memref_squeeze %dma_start3A_79 : memref<1x128xi32, #tpu.memory_space<vmem>> -> memref<128xi32, #tpu.memory_space<vmem>>
    %dma_start3A_81 = arith.constant 0 : i32
    %dma_start3A_82 = arith.constant 0 : i32
    %dma_start3A_83 = tpu.memref_slice %arg2[%dma_start3A_81, %dma_start3A_82] : memref<4096x16xf32, #tpu.memory_space<hbm>> -> memref<4096x16xf32, #tpu.memory_space<hbm>>
    tpu.enqueue_indirect_dma source(%dma_start3A_83 : memref<4096x16xf32, #tpu.memory_space<hbm>>) target(%dma_start3A_77 : memref<128x16xf32, #tpu.memory_space<vmem>>) offsets(%dma_start3A_80 : memref<128xi32, #tpu.memory_space<vmem>>) semaphore(%arg7 : memref<!tpu.dma_semaphore, #tpu.memory_space<semaphore_mem>>)
    %dma_start3A_84 = arith.constant 8 : i32
    %dma_start3A_85 = arith.constant 1024 : i32
    %dma_start3A_86 = arith.constant 0 : i32
    %dma_start3A_87 = tpu.memref_slice %arg6[%dma_start3A_85, %dma_start3A_86] : memref<1536x16xf32, #tpu.memory_space<vmem>> -> memref<128x16xf32, #tpu.memory_space<vmem>>
    %dma_start3A_88 = arith.constant 0 : i32
    %dma_start3A_89 = tpu.memref_slice %arg5[%dma_start3A_84, %dma_start3A_88] : memref<12x128xi32, #tpu.memory_space<vmem>> -> memref<1x128xi32, #tpu.memory_space<vmem>>
    %dma_start3A_90 = tpu.memref_squeeze %dma_start3A_89 : memref<1x128xi32, #tpu.memory_space<vmem>> -> memref<128xi32, #tpu.memory_space<vmem>>
    %dma_start3A_91 = arith.constant 0 : i32
    %dma_start3A_92 = arith.constant 0 : i32
    %dma_start3A_93 = tpu.memref_slice %arg2[%dma_start3A_91, %dma_start3A_92] : memref<4096x16xf32, #tpu.memory_space<hbm>> -> memref<4096x16xf32, #tpu.memory_space<hbm>>
    tpu.enqueue_indirect_dma source(%dma_start3A_93 : memref<4096x16xf32, #tpu.memory_space<hbm>>) target(%dma_start3A_87 : memref<128x16xf32, #tpu.memory_space<vmem>>) offsets(%dma_start3A_90 : memref<128xi32, #tpu.memory_space<vmem>>) semaphore(%arg7 : memref<!tpu.dma_semaphore, #tpu.memory_space<semaphore_mem>>)
    %dma_start3A_94 = arith.constant 9 : i32
    %dma_start3A_95 = arith.constant 1152 : i32
    %dma_start3A_96 = arith.constant 0 : i32
    %dma_start3A_97 = tpu.memref_slice %arg6[%dma_start3A_95, %dma_start3A_96] : memref<1536x16xf32, #tpu.memory_space<vmem>> -> memref<128x16xf32, #tpu.memory_space<vmem>>
    %dma_start3A_98 = arith.constant 0 : i32
    %dma_start3A_99 = tpu.memref_slice %arg5[%dma_start3A_94, %dma_start3A_98] : memref<12x128xi32, #tpu.memory_space<vmem>> -> memref<1x128xi32, #tpu.memory_space<vmem>>
    %dma_start3A_100 = tpu.memref_squeeze %dma_start3A_99 : memref<1x128xi32, #tpu.memory_space<vmem>> -> memref<128xi32, #tpu.memory_space<vmem>>
    %dma_start3A_101 = arith.constant 0 : i32
    %dma_start3A_102 = arith.constant 0 : i32
    %dma_start3A_103 = tpu.memref_slice %arg2[%dma_start3A_101, %dma_start3A_102] : memref<4096x16xf32, #tpu.memory_space<hbm>> -> memref<4096x16xf32, #tpu.memory_space<hbm>>
    tpu.enqueue_indirect_dma source(%dma_start3A_103 : memref<4096x16xf32, #tpu.memory_space<hbm>>) target(%dma_start3A_97 : memref<128x16xf32, #tpu.memory_space<vmem>>) offsets(%dma_start3A_100 : memref<128xi32, #tpu.memory_space<vmem>>) semaphore(%arg7 : memref<!tpu.dma_semaphore, #tpu.memory_space<semaphore_mem>>)
    %dma_start3A_104 = arith.constant 10 : i32
    %dma_start3A_105 = arith.constant 1280 : i32
    %dma_start3A_106 = arith.constant 0 : i32
    %dma_start3A_107 = tpu.memref_slice %arg6[%dma_start3A_105, %dma_start3A_106] : memref<1536x16xf32, #tpu.memory_space<vmem>> -> memref<128x16xf32, #tpu.memory_space<vmem>>
    %dma_start3A_108 = arith.constant 0 : i32
    %dma_start3A_109 = tpu.memref_slice %arg5[%dma_start3A_104, %dma_start3A_108] : memref<12x128xi32, #tpu.memory_space<vmem>> -> memref<1x128xi32, #tpu.memory_space<vmem>>
    %dma_start3A_110 = tpu.memref_squeeze %dma_start3A_109 : memref<1x128xi32, #tpu.memory_space<vmem>> -> memref<128xi32, #tpu.memory_space<vmem>>
    %dma_start3A_111 = arith.constant 0 : i32
    %dma_start3A_112 = arith.constant 0 : i32
    %dma_start3A_113 = tpu.memref_slice %arg2[%dma_start3A_111, %dma_start3A_112] : memref<4096x16xf32, #tpu.memory_space<hbm>> -> memref<4096x16xf32, #tpu.memory_space<hbm>>
    tpu.enqueue_indirect_dma source(%dma_start3A_113 : memref<4096x16xf32, #tpu.memory_space<hbm>>) target(%dma_start3A_107 : memref<128x16xf32, #tpu.memory_space<vmem>>) offsets(%dma_start3A_110 : memref<128xi32, #tpu.memory_space<vmem>>) semaphore(%arg7 : memref<!tpu.dma_semaphore, #tpu.memory_space<semaphore_mem>>)
    %dma_start3A_114 = arith.constant 11 : i32
    %dma_start3A_115 = arith.constant 1408 : i32
    %dma_start3A_116 = arith.constant 0 : i32
    %dma_start3A_117 = tpu.memref_slice %arg6[%dma_start3A_115, %dma_start3A_116] : memref<1536x16xf32, #tpu.memory_space<vmem>> -> memref<128x16xf32, #tpu.memory_space<vmem>>
    %dma_start3A_118 = arith.constant 0 : i32
    %dma_start3A_119 = tpu.memref_slice %arg5[%dma_start3A_114, %dma_start3A_118] : memref<12x128xi32, #tpu.memory_space<vmem>> -> memref<1x128xi32, #tpu.memory_space<vmem>>
    %dma_start3A_120 = tpu.memref_squeeze %dma_start3A_119 : memref<1x128xi32, #tpu.memory_space<vmem>> -> memref<128xi32, #tpu.memory_space<vmem>>
    %dma_start3A_121 = arith.constant 0 : i32
    %dma_start3A_122 = arith.constant 0 : i32
    %dma_start3A_123 = tpu.memref_slice %arg2[%dma_start3A_121, %dma_start3A_122] : memref<4096x16xf32, #tpu.memory_space<hbm>> -> memref<4096x16xf32, #tpu.memory_space<hbm>>
    tpu.enqueue_indirect_dma source(%dma_start3A_123 : memref<4096x16xf32, #tpu.memory_space<hbm>>) target(%dma_start3A_117 : memref<128x16xf32, #tpu.memory_space<vmem>>) offsets(%dma_start3A_120 : memref<128xi32, #tpu.memory_space<vmem>>) semaphore(%arg7 : memref<!tpu.dma_semaphore, #tpu.memory_space<semaphore_mem>>)
    %dma_wait3A = arith.constant 0 : i32
    %dma_wait3A_124 = arith.constant 0 : i32
    %dma_wait3A_125 = arith.constant 0 : i32
    %dma_wait3A_126 = tpu.memref_slice %arg6[%dma_wait3A_124, %dma_wait3A_125] : memref<1536x16xf32, #tpu.memory_space<vmem>> -> memref<128x16xf32, #tpu.memory_space<vmem>>
    %dma_wait3A_127 = arith.constant 0 : i32
    %dma_wait3A_128 = tpu.memref_slice %arg5[%dma_wait3A, %dma_wait3A_127] : memref<12x128xi32, #tpu.memory_space<vmem>> -> memref<1x128xi32, #tpu.memory_space<vmem>>
    %dma_wait3A_129 = tpu.memref_squeeze %dma_wait3A_128 : memref<1x128xi32, #tpu.memory_space<vmem>> -> memref<128xi32, #tpu.memory_space<vmem>>
    %dma_wait3A_130 = arith.constant 0 : i32
    %dma_wait3A_131 = arith.constant 0 : i32
    %dma_wait3A_132 = tpu.memref_slice %arg2[%dma_wait3A_130, %dma_wait3A_131] : memref<4096x16xf32, #tpu.memory_space<hbm>> -> memref<4096x16xf32, #tpu.memory_space<hbm>>
    tpu.wait_indirect_dma semaphore(%arg7 : memref<!tpu.dma_semaphore, #tpu.memory_space<semaphore_mem>>) src(%dma_wait3A_132 : memref<4096x16xf32, #tpu.memory_space<hbm>>) dst(%dma_wait3A_126 : memref<128x16xf32, #tpu.memory_space<vmem>>)
    %dma_wait3A_133 = arith.constant 1 : i32
    %dma_wait3A_134 = arith.constant 128 : i32
    %dma_wait3A_135 = arith.constant 0 : i32
    %dma_wait3A_136 = tpu.memref_slice %arg6[%dma_wait3A_134, %dma_wait3A_135] : memref<1536x16xf32, #tpu.memory_space<vmem>> -> memref<128x16xf32, #tpu.memory_space<vmem>>
    %dma_wait3A_137 = arith.constant 0 : i32
    %dma_wait3A_138 = tpu.memref_slice %arg5[%dma_wait3A_133, %dma_wait3A_137] : memref<12x128xi32, #tpu.memory_space<vmem>> -> memref<1x128xi32, #tpu.memory_space<vmem>>
    %dma_wait3A_139 = tpu.memref_squeeze %dma_wait3A_138 : memref<1x128xi32, #tpu.memory_space<vmem>> -> memref<128xi32, #tpu.memory_space<vmem>>
    %dma_wait3A_140 = arith.constant 0 : i32
    %dma_wait3A_141 = arith.constant 0 : i32
    %dma_wait3A_142 = tpu.memref_slice %arg2[%dma_wait3A_140, %dma_wait3A_141] : memref<4096x16xf32, #tpu.memory_space<hbm>> -> memref<4096x16xf32, #tpu.memory_space<hbm>>
    tpu.wait_indirect_dma semaphore(%arg7 : memref<!tpu.dma_semaphore, #tpu.memory_space<semaphore_mem>>) src(%dma_wait3A_142 : memref<4096x16xf32, #tpu.memory_space<hbm>>) dst(%dma_wait3A_136 : memref<128x16xf32, #tpu.memory_space<vmem>>)
    %dma_wait3A_143 = arith.constant 2 : i32
    %dma_wait3A_144 = arith.constant 256 : i32
    %dma_wait3A_145 = arith.constant 0 : i32
    %dma_wait3A_146 = tpu.memref_slice %arg6[%dma_wait3A_144, %dma_wait3A_145] : memref<1536x16xf32, #tpu.memory_space<vmem>> -> memref<128x16xf32, #tpu.memory_space<vmem>>
    %dma_wait3A_147 = arith.constant 0 : i32
    %dma_wait3A_148 = tpu.memref_slice %arg5[%dma_wait3A_143, %dma_wait3A_147] : memref<12x128xi32, #tpu.memory_space<vmem>> -> memref<1x128xi32, #tpu.memory_space<vmem>>
    %dma_wait3A_149 = tpu.memref_squeeze %dma_wait3A_148 : memref<1x128xi32, #tpu.memory_space<vmem>> -> memref<128xi32, #tpu.memory_space<vmem>>
    %dma_wait3A_150 = arith.constant 0 : i32
    %dma_wait3A_151 = arith.constant 0 : i32
    %dma_wait3A_152 = tpu.memref_slice %arg2[%dma_wait3A_150, %dma_wait3A_151] : memref<4096x16xf32, #tpu.memory_space<hbm>> -> memref<4096x16xf32, #tpu.memory_space<hbm>>
    tpu.wait_indirect_dma semaphore(%arg7 : memref<!tpu.dma_semaphore, #tpu.memory_space<semaphore_mem>>) src(%dma_wait3A_152 : memref<4096x16xf32, #tpu.memory_space<hbm>>) dst(%dma_wait3A_146 : memref<128x16xf32, #tpu.memory_space<vmem>>)
    %dma_wait3A_153 = arith.constant 3 : i32
    %dma_wait3A_154 = arith.constant 384 : i32
    %dma_wait3A_155 = arith.constant 0 : i32
    %dma_wait3A_156 = tpu.memref_slice %arg6[%dma_wait3A_154, %dma_wait3A_155] : memref<1536x16xf32, #tpu.memory_space<vmem>> -> memref<128x16xf32, #tpu.memory_space<vmem>>
    %dma_wait3A_157 = arith.constant 0 : i32
    %dma_wait3A_158 = tpu.memref_slice %arg5[%dma_wait3A_153, %dma_wait3A_157] : memref<12x128xi32, #tpu.memory_space<vmem>> -> memref<1x128xi32, #tpu.memory_space<vmem>>
    %dma_wait3A_159 = tpu.memref_squeeze %dma_wait3A_158 : memref<1x128xi32, #tpu.memory_space<vmem>> -> memref<128xi32, #tpu.memory_space<vmem>>
    %dma_wait3A_160 = arith.constant 0 : i32
    %dma_wait3A_161 = arith.constant 0 : i32
    %dma_wait3A_162 = tpu.memref_slice %arg2[%dma_wait3A_160, %dma_wait3A_161] : memref<4096x16xf32, #tpu.memory_space<hbm>> -> memref<4096x16xf32, #tpu.memory_space<hbm>>
    tpu.wait_indirect_dma semaphore(%arg7 : memref<!tpu.dma_semaphore, #tpu.memory_space<semaphore_mem>>) src(%dma_wait3A_162 : memref<4096x16xf32, #tpu.memory_space<hbm>>) dst(%dma_wait3A_156 : memref<128x16xf32, #tpu.memory_space<vmem>>)
    %dma_wait3A_163 = arith.constant 4 : i32
    %dma_wait3A_164 = arith.constant 512 : i32
    %dma_wait3A_165 = arith.constant 0 : i32
    %dma_wait3A_166 = tpu.memref_slice %arg6[%dma_wait3A_164, %dma_wait3A_165] : memref<1536x16xf32, #tpu.memory_space<vmem>> -> memref<128x16xf32, #tpu.memory_space<vmem>>
    %dma_wait3A_167 = arith.constant 0 : i32
    %dma_wait3A_168 = tpu.memref_slice %arg5[%dma_wait3A_163, %dma_wait3A_167] : memref<12x128xi32, #tpu.memory_space<vmem>> -> memref<1x128xi32, #tpu.memory_space<vmem>>
    %dma_wait3A_169 = tpu.memref_squeeze %dma_wait3A_168 : memref<1x128xi32, #tpu.memory_space<vmem>> -> memref<128xi32, #tpu.memory_space<vmem>>
    %dma_wait3A_170 = arith.constant 0 : i32
    %dma_wait3A_171 = arith.constant 0 : i32
    %dma_wait3A_172 = tpu.memref_slice %arg2[%dma_wait3A_170, %dma_wait3A_171] : memref<4096x16xf32, #tpu.memory_space<hbm>> -> memref<4096x16xf32, #tpu.memory_space<hbm>>
    tpu.wait_indirect_dma semaphore(%arg7 : memref<!tpu.dma_semaphore, #tpu.memory_space<semaphore_mem>>) src(%dma_wait3A_172 : memref<4096x16xf32, #tpu.memory_space<hbm>>) dst(%dma_wait3A_166 : memref<128x16xf32, #tpu.memory_space<vmem>>)
    %dma_wait3A_173 = arith.constant 5 : i32
    %dma_wait3A_174 = arith.constant 640 : i32
    %dma_wait3A_175 = arith.constant 0 : i32
    %dma_wait3A_176 = tpu.memref_slice %arg6[%dma_wait3A_174, %dma_wait3A_175] : memref<1536x16xf32, #tpu.memory_space<vmem>> -> memref<128x16xf32, #tpu.memory_space<vmem>>
    %dma_wait3A_177 = arith.constant 0 : i32
    %dma_wait3A_178 = tpu.memref_slice %arg5[%dma_wait3A_173, %dma_wait3A_177] : memref<12x128xi32, #tpu.memory_space<vmem>> -> memref<1x128xi32, #tpu.memory_space<vmem>>
    %dma_wait3A_179 = tpu.memref_squeeze %dma_wait3A_178 : memref<1x128xi32, #tpu.memory_space<vmem>> -> memref<128xi32, #tpu.memory_space<vmem>>
    %dma_wait3A_180 = arith.constant 0 : i32
    %dma_wait3A_181 = arith.constant 0 : i32
    %dma_wait3A_182 = tpu.memref_slice %arg2[%dma_wait3A_180, %dma_wait3A_181] : memref<4096x16xf32, #tpu.memory_space<hbm>> -> memref<4096x16xf32, #tpu.memory_space<hbm>>
    tpu.wait_indirect_dma semaphore(%arg7 : memref<!tpu.dma_semaphore, #tpu.memory_space<semaphore_mem>>) src(%dma_wait3A_182 : memref<4096x16xf32, #tpu.memory_space<hbm>>) dst(%dma_wait3A_176 : memref<128x16xf32, #tpu.memory_space<vmem>>)
    %dma_wait3A_183 = arith.constant 6 : i32
    %dma_wait3A_184 = arith.constant 768 : i32
    %dma_wait3A_185 = arith.constant 0 : i32
    %dma_wait3A_186 = tpu.memref_slice %arg6[%dma_wait3A_184, %dma_wait3A_185] : memref<1536x16xf32, #tpu.memory_space<vmem>> -> memref<128x16xf32, #tpu.memory_space<vmem>>
    %dma_wait3A_187 = arith.constant 0 : i32
    %dma_wait3A_188 = tpu.memref_slice %arg5[%dma_wait3A_183, %dma_wait3A_187] : memref<12x128xi32, #tpu.memory_space<vmem>> -> memref<1x128xi32, #tpu.memory_space<vmem>>
    %dma_wait3A_189 = tpu.memref_squeeze %dma_wait3A_188 : memref<1x128xi32, #tpu.memory_space<vmem>> -> memref<128xi32, #tpu.memory_space<vmem>>
    %dma_wait3A_190 = arith.constant 0 : i32
    %dma_wait3A_191 = arith.constant 0 : i32
    %dma_wait3A_192 = tpu.memref_slice %arg2[%dma_wait3A_190, %dma_wait3A_191] : memref<4096x16xf32, #tpu.memory_space<hbm>> -> memref<4096x16xf32, #tpu.memory_space<hbm>>
    tpu.wait_indirect_dma semaphore(%arg7 : memref<!tpu.dma_semaphore, #tpu.memory_space<semaphore_mem>>) src(%dma_wait3A_192 : memref<4096x16xf32, #tpu.memory_space<hbm>>) dst(%dma_wait3A_186 : memref<128x16xf32, #tpu.memory_space<vmem>>)
    %dma_wait3A_193 = arith.constant 7 : i32
    %dma_wait3A_194 = arith.constant 896 : i32
    %dma_wait3A_195 = arith.constant 0 : i32
    %dma_wait3A_196 = tpu.memref_slice %arg6[%dma_wait3A_194, %dma_wait3A_195] : memref<1536x16xf32, #tpu.memory_space<vmem>> -> memref<128x16xf32, #tpu.memory_space<vmem>>
    %dma_wait3A_197 = arith.constant 0 : i32
    %dma_wait3A_198 = tpu.memref_slice %arg5[%dma_wait3A_193, %dma_wait3A_197] : memref<12x128xi32, #tpu.memory_space<vmem>> -> memref<1x128xi32, #tpu.memory_space<vmem>>
    %dma_wait3A_199 = tpu.memref_squeeze %dma_wait3A_198 : memref<1x128xi32, #tpu.memory_space<vmem>> -> memref<128xi32, #tpu.memory_space<vmem>>
    %dma_wait3A_200 = arith.constant 0 : i32
    %dma_wait3A_201 = arith.constant 0 : i32
    %dma_wait3A_202 = tpu.memref_slice %arg2[%dma_wait3A_200, %dma_wait3A_201] : memref<4096x16xf32, #tpu.memory_space<hbm>> -> memref<4096x16xf32, #tpu.memory_space<hbm>>
    tpu.wait_indirect_dma semaphore(%arg7 : memref<!tpu.dma_semaphore, #tpu.memory_space<semaphore_mem>>) src(%dma_wait3A_202 : memref<4096x16xf32, #tpu.memory_space<hbm>>) dst(%dma_wait3A_196 : memref<128x16xf32, #tpu.memory_space<vmem>>)
    %dma_wait3A_203 = arith.constant 8 : i32
    %dma_wait3A_204 = arith.constant 1024 : i32
    %dma_wait3A_205 = arith.constant 0 : i32
    %dma_wait3A_206 = tpu.memref_slice %arg6[%dma_wait3A_204, %dma_wait3A_205] : memref<1536x16xf32, #tpu.memory_space<vmem>> -> memref<128x16xf32, #tpu.memory_space<vmem>>
    %dma_wait3A_207 = arith.constant 0 : i32
    %dma_wait3A_208 = tpu.memref_slice %arg5[%dma_wait3A_203, %dma_wait3A_207] : memref<12x128xi32, #tpu.memory_space<vmem>> -> memref<1x128xi32, #tpu.memory_space<vmem>>
    %dma_wait3A_209 = tpu.memref_squeeze %dma_wait3A_208 : memref<1x128xi32, #tpu.memory_space<vmem>> -> memref<128xi32, #tpu.memory_space<vmem>>
    %dma_wait3A_210 = arith.constant 0 : i32
    %dma_wait3A_211 = arith.constant 0 : i32
    %dma_wait3A_212 = tpu.memref_slice %arg2[%dma_wait3A_210, %dma_wait3A_211] : memref<4096x16xf32, #tpu.memory_space<hbm>> -> memref<4096x16xf32, #tpu.memory_space<hbm>>
    tpu.wait_indirect_dma semaphore(%arg7 : memref<!tpu.dma_semaphore, #tpu.memory_space<semaphore_mem>>) src(%dma_wait3A_212 : memref<4096x16xf32, #tpu.memory_space<hbm>>) dst(%dma_wait3A_206 : memref<128x16xf32, #tpu.memory_space<vmem>>)
    %dma_wait3A_213 = arith.constant 9 : i32
    %dma_wait3A_214 = arith.constant 1152 : i32
    %dma_wait3A_215 = arith.constant 0 : i32
    %dma_wait3A_216 = tpu.memref_slice %arg6[%dma_wait3A_214, %dma_wait3A_215] : memref<1536x16xf32, #tpu.memory_space<vmem>> -> memref<128x16xf32, #tpu.memory_space<vmem>>
    %dma_wait3A_217 = arith.constant 0 : i32
    %dma_wait3A_218 = tpu.memref_slice %arg5[%dma_wait3A_213, %dma_wait3A_217] : memref<12x128xi32, #tpu.memory_space<vmem>> -> memref<1x128xi32, #tpu.memory_space<vmem>>
    %dma_wait3A_219 = tpu.memref_squeeze %dma_wait3A_218 : memref<1x128xi32, #tpu.memory_space<vmem>> -> memref<128xi32, #tpu.memory_space<vmem>>
    %dma_wait3A_220 = arith.constant 0 : i32
    %dma_wait3A_221 = arith.constant 0 : i32
    %dma_wait3A_222 = tpu.memref_slice %arg2[%dma_wait3A_220, %dma_wait3A_221] : memref<4096x16xf32, #tpu.memory_space<hbm>> -> memref<4096x16xf32, #tpu.memory_space<hbm>>
    tpu.wait_indirect_dma semaphore(%arg7 : memref<!tpu.dma_semaphore, #tpu.memory_space<semaphore_mem>>) src(%dma_wait3A_222 : memref<4096x16xf32, #tpu.memory_space<hbm>>) dst(%dma_wait3A_216 : memref<128x16xf32, #tpu.memory_space<vmem>>)
    %dma_wait3A_223 = arith.constant 10 : i32
    %dma_wait3A_224 = arith.constant 1280 : i32
    %dma_wait3A_225 = arith.constant 0 : i32
    %dma_wait3A_226 = tpu.memref_slice %arg6[%dma_wait3A_224, %dma_wait3A_225] : memref<1536x16xf32, #tpu.memory_space<vmem>> -> memref<128x16xf32, #tpu.memory_space<vmem>>
    %dma_wait3A_227 = arith.constant 0 : i32
    %dma_wait3A_228 = tpu.memref_slice %arg5[%dma_wait3A_223, %dma_wait3A_227] : memref<12x128xi32, #tpu.memory_space<vmem>> -> memref<1x128xi32, #tpu.memory_space<vmem>>
    %dma_wait3A_229 = tpu.memref_squeeze %dma_wait3A_228 : memref<1x128xi32, #tpu.memory_space<vmem>> -> memref<128xi32, #tpu.memory_space<vmem>>
    %dma_wait3A_230 = arith.constant 0 : i32
    %dma_wait3A_231 = arith.constant 0 : i32
    %dma_wait3A_232 = tpu.memref_slice %arg2[%dma_wait3A_230, %dma_wait3A_231] : memref<4096x16xf32, #tpu.memory_space<hbm>> -> memref<4096x16xf32, #tpu.memory_space<hbm>>
    tpu.wait_indirect_dma semaphore(%arg7 : memref<!tpu.dma_semaphore, #tpu.memory_space<semaphore_mem>>) src(%dma_wait3A_232 : memref<4096x16xf32, #tpu.memory_space<hbm>>) dst(%dma_wait3A_226 : memref<128x16xf32, #tpu.memory_space<vmem>>)
    %dma_wait3A_233 = arith.constant 11 : i32
    %dma_wait3A_234 = arith.constant 1408 : i32
    %dma_wait3A_235 = arith.constant 0 : i32
    %dma_wait3A_236 = tpu.memref_slice %arg6[%dma_wait3A_234, %dma_wait3A_235] : memref<1536x16xf32, #tpu.memory_space<vmem>> -> memref<128x16xf32, #tpu.memory_space<vmem>>
    %dma_wait3A_237 = arith.constant 0 : i32
    %dma_wait3A_238 = tpu.memref_slice %arg5[%dma_wait3A_233, %dma_wait3A_237] : memref<12x128xi32, #tpu.memory_space<vmem>> -> memref<1x128xi32, #tpu.memory_space<vmem>>
    %dma_wait3A_239 = tpu.memref_squeeze %dma_wait3A_238 : memref<1x128xi32, #tpu.memory_space<vmem>> -> memref<128xi32, #tpu.memory_space<vmem>>
    %dma_wait3A_240 = arith.constant 0 : i32
    %dma_wait3A_241 = arith.constant 0 : i32
    %dma_wait3A_242 = tpu.memref_slice %arg2[%dma_wait3A_240, %dma_wait3A_241] : memref<4096x16xf32, #tpu.memory_space<hbm>> -> memref<4096x16xf32, #tpu.memory_space<hbm>>
    tpu.wait_indirect_dma semaphore(%arg7 : memref<!tpu.dma_semaphore, #tpu.memory_space<semaphore_mem>>) src(%dma_wait3A_242 : memref<4096x16xf32, #tpu.memory_space<hbm>>) dst(%dma_wait3A_236 : memref<128x16xf32, #tpu.memory_space<vmem>>)
    "tpu.region"() ({
      %run_scoped3A = tpu.sem_alloc : memref<!tpu.dma_semaphore, #tpu.memory_space<semaphore_mem>>
      %dma_start3A_243 = arith.constant 0 : i32
      %dma_start3A_244 = tpu.memref_slice %arg4[%mul3A_2, %dma_start3A_243] : memref<49152x16xf32, #tpu.memory_space<hbm>> -> memref<1536x16xf32, #tpu.memory_space<hbm>>
      %dma_start3A_245 = arith.constant 0 : i32
      %dma_start3A_246 = tpu.memref_slice %arg4[%mul3A_2, %dma_start3A_245] : memref<49152x16xf32, #tpu.memory_space<hbm>> -> memref<1536x16xf32, #tpu.memory_space<hbm>>
      tpu.enqueue_dma source(%arg6 : memref<1536x16xf32, #tpu.memory_space<vmem>>) target(%dma_start3A_246 : memref<1536x16xf32, #tpu.memory_space<hbm>>) target_semaphore(%run_scoped3A : memref<!tpu.dma_semaphore, #tpu.memory_space<semaphore_mem>>)
      %dma_wait3A_247 = arith.constant 0 : i32
      %dma_wait3A_248 = tpu.memref_slice %arg4[%mul3A_2, %dma_wait3A_247] : memref<49152x16xf32, #tpu.memory_space<hbm>> -> memref<1536x16xf32, #tpu.memory_space<hbm>>
      %dma_wait3A_249 = arith.constant 0 : i32
      %dma_wait3A_250 = tpu.memref_slice %arg4[%mul3A_2, %dma_wait3A_249] : memref<49152x16xf32, #tpu.memory_space<hbm>> -> memref<1536x16xf32, #tpu.memory_space<hbm>>
      tpu.wait_dma2 semaphore(%run_scoped3A : memref<!tpu.dma_semaphore, #tpu.memory_space<semaphore_mem>>) src(%arg6 : memref<1536x16xf32, #tpu.memory_space<vmem>>) dst(%dma_wait3A_250 : memref<1536x16xf32, #tpu.memory_space<hbm>>)
      tpu.yield
    }) : () -> ()
    return
  }
}

module attributes {stable_mosaic.version = 14 : i64} {
  func.func @_argmin_body(%arg0: i32, %arg1: memref<512x8xf32, #tpu.memory_space<vmem>>, %arg2: memref<8x4096xf32, #tpu.memory_space<vmem>>, %arg3: memref<1x1x512xi32, #tpu.memory_space<vmem>>, %arg4: memref<1x1xf32, #tpu.memory_space<vmem>>) attributes {dimension_semantics = [#tpu.dimension_semantics<arbitrary>], iteration_bounds = array<i64: 96>, scalar_prefetch = 0 : i64, scratch_operands = 0 : i64, tpu.core_type = #tpu.core_type<tc>, window_params = [{transform_indices = @transform_0, window_bounds = array<i64: 512, 8>}, {pipeline_mode = #tpu.pipeline_mode<synchronous>, transform_indices = @transform_1, window_bounds = array<i64: 8, 4096>}, {transform_indices = @transform_2, window_bounds = array<i64: 1, 1, 512>}, {pipeline_mode = #tpu.pipeline_mode<synchronous>, transform_indices = @transform_3, window_bounds = array<i64: 1, 1>}]} {
    %get3A = arith.constant 0 : index
    %get3A_0 = arith.constant 0 : index
    %get3A_1 = vector.load %arg1[%get3A, %get3A_0] : memref<512x8xf32, #tpu.memory_space<vmem>>, vector<512x8xf32>
    %get3A_2 = arith.constant 0 : index
    %get3A_3 = arith.constant 0 : index
    %get3A_4 = vector.load %arg2[%get3A_2, %get3A_3] : memref<8x4096xf32, #tpu.memory_space<vmem>>, vector<8x4096xf32>
    %dot_general3A = arith.constant dense<0.000000e+00> : vector<512x4096xf32>
    %dot_general3A_5 = tpu.matmul %get3A_1, %get3A_4, %dot_general3A {dimension_numbers = #tpu.dot_dimension_numbers<[1], [0], [0], [1], [0, 0, 1, 1], [], []>, transpose_lhs_hint = false} : vector<512x8xf32>, vector<8x4096xf32>, vector<512x4096xf32> -> vector<512x4096xf32>
    %mul3A = arith.mulf %get3A_1, %get3A_1 : vector<512x8xf32>
    %reduce_sum3A = arith.constant dense<0.000000e+00> : vector<512xf32>
    %reduce_sum3A_6 = vector.multi_reduction <add>, %mul3A, %reduce_sum3A [1] : vector<512x8xf32> to vector<512xf32>
    %broadcast_in_dim3A = vector.shape_cast %reduce_sum3A_6 : vector<512xf32> to vector<512x1xf32>
    %mul3A_7 = arith.constant 5.000000e-01 : f32
    %mul3A_8 = vector.broadcast %mul3A_7 : f32 to vector<8x4096xf32>
    %mul3A_9 = arith.mulf %mul3A_8, %get3A_4 : vector<8x4096xf32>
    %mul3A_10 = arith.mulf %mul3A_9, %mul3A_9 : vector<8x4096xf32>
    %reduce_sum3A_11 = arith.constant dense<0.000000e+00> : vector<4096xf32>
    %reduce_sum3A_12 = vector.multi_reduction <add>, %mul3A_10, %reduce_sum3A_11 [0] : vector<8x4096xf32> to vector<4096xf32>
    %broadcast_in_dim3A_13 = vector.shape_cast %reduce_sum3A_12 : vector<4096xf32> to vector<1x4096xf32>
    %slice3A = vector.extract_strided_slice %dot_general3A_5 {offsets = [0, 0], sizes = [512, 128], strides = [1, 1]} : vector<512x4096xf32> to vector<512x128xf32>
    %sub3A = vector.broadcast %broadcast_in_dim3A : vector<512x1xf32> to vector<512x128xf32>
    %sub3A_14 = arith.subf %sub3A, %slice3A : vector<512x128xf32>
    %slice3A_15 = vector.extract_strided_slice %broadcast_in_dim3A_13 {offsets = [0, 0], sizes = [1, 128], strides = [1, 1]} : vector<1x4096xf32> to vector<1x128xf32>
    %add3A = vector.broadcast %slice3A_15 : vector<1x128xf32> to vector<512x128xf32>
    %add3A_16 = arith.addf %sub3A_14, %add3A : vector<512x128xf32>
    %broadcast_in_dim3A_17 = arith.constant 0.000000e+00 : f32
    %broadcast_in_dim3A_18 = vector.broadcast %broadcast_in_dim3A_17 : f32 to vector<512x128xf32>
    %slice3A_19 = vector.extract_strided_slice %dot_general3A_5 {offsets = [0, 128], sizes = [512, 128], strides = [1, 1]} : vector<512x4096xf32> to vector<512x128xf32>
    %sub3A_20 = vector.broadcast %broadcast_in_dim3A : vector<512x1xf32> to vector<512x128xf32>
    %sub3A_21 = arith.subf %sub3A_20, %slice3A_19 : vector<512x128xf32>
    %slice3A_22 = vector.extract_strided_slice %broadcast_in_dim3A_13 {offsets = [0, 128], sizes = [1, 128], strides = [1, 1]} : vector<1x4096xf32> to vector<1x128xf32>
    %add3A_23 = vector.broadcast %slice3A_22 : vector<1x128xf32> to vector<512x128xf32>
    %add3A_24 = arith.addf %sub3A_21, %add3A_23 : vector<512x128xf32>
    %lt3A = arith.cmpf olt, %add3A_24, %add3A_16 : vector<512x128xf32>
    %jit3A = arith.constant 1.000000e+00 : f32
    %broadcast_in_dim3A_25 = vector.broadcast %jit3A : f32 to vector<512x128xf32>
    %select_n3A = arith.select %lt3A, %broadcast_in_dim3A_25, %broadcast_in_dim3A_18 : vector<512x128xi1>, vector<512x128xf32>
    %min3A = arith.minimumf %add3A_16, %add3A_24 : vector<512x128xf32>
    %slice3A_26 = vector.extract_strided_slice %dot_general3A_5 {offsets = [0, 256], sizes = [512, 128], strides = [1, 1]} : vector<512x4096xf32> to vector<512x128xf32>
    %sub3A_27 = vector.broadcast %broadcast_in_dim3A : vector<512x1xf32> to vector<512x128xf32>
    %sub3A_28 = arith.subf %sub3A_27, %slice3A_26 : vector<512x128xf32>
    %slice3A_29 = vector.extract_strided_slice %broadcast_in_dim3A_13 {offsets = [0, 256], sizes = [1, 128], strides = [1, 1]} : vector<1x4096xf32> to vector<1x128xf32>
    %add3A_30 = vector.broadcast %slice3A_29 : vector<1x128xf32> to vector<512x128xf32>
    %add3A_31 = arith.addf %sub3A_28, %add3A_30 : vector<512x128xf32>
    %lt3A_32 = arith.cmpf olt, %add3A_31, %min3A : vector<512x128xf32>
    %jit3A_33 = arith.constant 2.000000e+00 : f32
    %broadcast_in_dim3A_34 = vector.broadcast %jit3A_33 : f32 to vector<512x128xf32>
    %select_n3A_35 = arith.select %lt3A_32, %broadcast_in_dim3A_34, %select_n3A : vector<512x128xi1>, vector<512x128xf32>
    %min3A_36 = arith.minimumf %min3A, %add3A_31 : vector<512x128xf32>
    %slice3A_37 = vector.extract_strided_slice %dot_general3A_5 {offsets = [0, 384], sizes = [512, 128], strides = [1, 1]} : vector<512x4096xf32> to vector<512x128xf32>
    %sub3A_38 = vector.broadcast %broadcast_in_dim3A : vector<512x1xf32> to vector<512x128xf32>
    %sub3A_39 = arith.subf %sub3A_38, %slice3A_37 : vector<512x128xf32>
    %slice3A_40 = vector.extract_strided_slice %broadcast_in_dim3A_13 {offsets = [0, 384], sizes = [1, 128], strides = [1, 1]} : vector<1x4096xf32> to vector<1x128xf32>
    %add3A_41 = vector.broadcast %slice3A_40 : vector<1x128xf32> to vector<512x128xf32>
    %add3A_42 = arith.addf %sub3A_39, %add3A_41 : vector<512x128xf32>
    %lt3A_43 = arith.cmpf olt, %add3A_42, %min3A_36 : vector<512x128xf32>
    %jit3A_44 = arith.constant 3.000000e+00 : f32
    %broadcast_in_dim3A_45 = vector.broadcast %jit3A_44 : f32 to vector<512x128xf32>
    %select_n3A_46 = arith.select %lt3A_43, %broadcast_in_dim3A_45, %select_n3A_35 : vector<512x128xi1>, vector<512x128xf32>
    %min3A_47 = arith.minimumf %min3A_36, %add3A_42 : vector<512x128xf32>
    %slice3A_48 = vector.extract_strided_slice %dot_general3A_5 {offsets = [0, 512], sizes = [512, 128], strides = [1, 1]} : vector<512x4096xf32> to vector<512x128xf32>
    %sub3A_49 = vector.broadcast %broadcast_in_dim3A : vector<512x1xf32> to vector<512x128xf32>
    %sub3A_50 = arith.subf %sub3A_49, %slice3A_48 : vector<512x128xf32>
    %slice3A_51 = vector.extract_strided_slice %broadcast_in_dim3A_13 {offsets = [0, 512], sizes = [1, 128], strides = [1, 1]} : vector<1x4096xf32> to vector<1x128xf32>
    %add3A_52 = vector.broadcast %slice3A_51 : vector<1x128xf32> to vector<512x128xf32>
    %add3A_53 = arith.addf %sub3A_50, %add3A_52 : vector<512x128xf32>
    %lt3A_54 = arith.cmpf olt, %add3A_53, %min3A_47 : vector<512x128xf32>
    %jit3A_55 = arith.constant 4.000000e+00 : f32
    %broadcast_in_dim3A_56 = vector.broadcast %jit3A_55 : f32 to vector<512x128xf32>
    %select_n3A_57 = arith.select %lt3A_54, %broadcast_in_dim3A_56, %select_n3A_46 : vector<512x128xi1>, vector<512x128xf32>
    %min3A_58 = arith.minimumf %min3A_47, %add3A_53 : vector<512x128xf32>
    %slice3A_59 = vector.extract_strided_slice %dot_general3A_5 {offsets = [0, 640], sizes = [512, 128], strides = [1, 1]} : vector<512x4096xf32> to vector<512x128xf32>
    %sub3A_60 = vector.broadcast %broadcast_in_dim3A : vector<512x1xf32> to vector<512x128xf32>
    %sub3A_61 = arith.subf %sub3A_60, %slice3A_59 : vector<512x128xf32>
    %slice3A_62 = vector.extract_strided_slice %broadcast_in_dim3A_13 {offsets = [0, 640], sizes = [1, 128], strides = [1, 1]} : vector<1x4096xf32> to vector<1x128xf32>
    %add3A_63 = vector.broadcast %slice3A_62 : vector<1x128xf32> to vector<512x128xf32>
    %add3A_64 = arith.addf %sub3A_61, %add3A_63 : vector<512x128xf32>
    %lt3A_65 = arith.cmpf olt, %add3A_64, %min3A_58 : vector<512x128xf32>
    %jit3A_66 = arith.constant 5.000000e+00 : f32
    %broadcast_in_dim3A_67 = vector.broadcast %jit3A_66 : f32 to vector<512x128xf32>
    %select_n3A_68 = arith.select %lt3A_65, %broadcast_in_dim3A_67, %select_n3A_57 : vector<512x128xi1>, vector<512x128xf32>
    %min3A_69 = arith.minimumf %min3A_58, %add3A_64 : vector<512x128xf32>
    %slice3A_70 = vector.extract_strided_slice %dot_general3A_5 {offsets = [0, 768], sizes = [512, 128], strides = [1, 1]} : vector<512x4096xf32> to vector<512x128xf32>
    %sub3A_71 = vector.broadcast %broadcast_in_dim3A : vector<512x1xf32> to vector<512x128xf32>
    %sub3A_72 = arith.subf %sub3A_71, %slice3A_70 : vector<512x128xf32>
    %slice3A_73 = vector.extract_strided_slice %broadcast_in_dim3A_13 {offsets = [0, 768], sizes = [1, 128], strides = [1, 1]} : vector<1x4096xf32> to vector<1x128xf32>
    %add3A_74 = vector.broadcast %slice3A_73 : vector<1x128xf32> to vector<512x128xf32>
    %add3A_75 = arith.addf %sub3A_72, %add3A_74 : vector<512x128xf32>
    %lt3A_76 = arith.cmpf olt, %add3A_75, %min3A_69 : vector<512x128xf32>
    %jit3A_77 = arith.constant 6.000000e+00 : f32
    %broadcast_in_dim3A_78 = vector.broadcast %jit3A_77 : f32 to vector<512x128xf32>
    %select_n3A_79 = arith.select %lt3A_76, %broadcast_in_dim3A_78, %select_n3A_68 : vector<512x128xi1>, vector<512x128xf32>
    %min3A_80 = arith.minimumf %min3A_69, %add3A_75 : vector<512x128xf32>
    %slice3A_81 = vector.extract_strided_slice %dot_general3A_5 {offsets = [0, 896], sizes = [512, 128], strides = [1, 1]} : vector<512x4096xf32> to vector<512x128xf32>
    %sub3A_82 = vector.broadcast %broadcast_in_dim3A : vector<512x1xf32> to vector<512x128xf32>
    %sub3A_83 = arith.subf %sub3A_82, %slice3A_81 : vector<512x128xf32>
    %slice3A_84 = vector.extract_strided_slice %broadcast_in_dim3A_13 {offsets = [0, 896], sizes = [1, 128], strides = [1, 1]} : vector<1x4096xf32> to vector<1x128xf32>
    %add3A_85 = vector.broadcast %slice3A_84 : vector<1x128xf32> to vector<512x128xf32>
    %add3A_86 = arith.addf %sub3A_83, %add3A_85 : vector<512x128xf32>
    %lt3A_87 = arith.cmpf olt, %add3A_86, %min3A_80 : vector<512x128xf32>
    %jit3A_88 = arith.constant 7.000000e+00 : f32
    %broadcast_in_dim3A_89 = vector.broadcast %jit3A_88 : f32 to vector<512x128xf32>
    %select_n3A_90 = arith.select %lt3A_87, %broadcast_in_dim3A_89, %select_n3A_79 : vector<512x128xi1>, vector<512x128xf32>
    %min3A_91 = arith.minimumf %min3A_80, %add3A_86 : vector<512x128xf32>
    %slice3A_92 = vector.extract_strided_slice %dot_general3A_5 {offsets = [0, 1024], sizes = [512, 128], strides = [1, 1]} : vector<512x4096xf32> to vector<512x128xf32>
    %sub3A_93 = vector.broadcast %broadcast_in_dim3A : vector<512x1xf32> to vector<512x128xf32>
    %sub3A_94 = arith.subf %sub3A_93, %slice3A_92 : vector<512x128xf32>
    %slice3A_95 = vector.extract_strided_slice %broadcast_in_dim3A_13 {offsets = [0, 1024], sizes = [1, 128], strides = [1, 1]} : vector<1x4096xf32> to vector<1x128xf32>
    %add3A_96 = vector.broadcast %slice3A_95 : vector<1x128xf32> to vector<512x128xf32>
    %add3A_97 = arith.addf %sub3A_94, %add3A_96 : vector<512x128xf32>
    %lt3A_98 = arith.cmpf olt, %add3A_97, %min3A_91 : vector<512x128xf32>
    %jit3A_99 = arith.constant 8.000000e+00 : f32
    %broadcast_in_dim3A_100 = vector.broadcast %jit3A_99 : f32 to vector<512x128xf32>
    %select_n3A_101 = arith.select %lt3A_98, %broadcast_in_dim3A_100, %select_n3A_90 : vector<512x128xi1>, vector<512x128xf32>
    %min3A_102 = arith.minimumf %min3A_91, %add3A_97 : vector<512x128xf32>
    %slice3A_103 = vector.extract_strided_slice %dot_general3A_5 {offsets = [0, 1152], sizes = [512, 128], strides = [1, 1]} : vector<512x4096xf32> to vector<512x128xf32>
    %sub3A_104 = vector.broadcast %broadcast_in_dim3A : vector<512x1xf32> to vector<512x128xf32>
    %sub3A_105 = arith.subf %sub3A_104, %slice3A_103 : vector<512x128xf32>
    %slice3A_106 = vector.extract_strided_slice %broadcast_in_dim3A_13 {offsets = [0, 1152], sizes = [1, 128], strides = [1, 1]} : vector<1x4096xf32> to vector<1x128xf32>
    %add3A_107 = vector.broadcast %slice3A_106 : vector<1x128xf32> to vector<512x128xf32>
    %add3A_108 = arith.addf %sub3A_105, %add3A_107 : vector<512x128xf32>
    %lt3A_109 = arith.cmpf olt, %add3A_108, %min3A_102 : vector<512x128xf32>
    %jit3A_110 = arith.constant 9.000000e+00 : f32
    %broadcast_in_dim3A_111 = vector.broadcast %jit3A_110 : f32 to vector<512x128xf32>
    %select_n3A_112 = arith.select %lt3A_109, %broadcast_in_dim3A_111, %select_n3A_101 : vector<512x128xi1>, vector<512x128xf32>
    %min3A_113 = arith.minimumf %min3A_102, %add3A_108 : vector<512x128xf32>
    %slice3A_114 = vector.extract_strided_slice %dot_general3A_5 {offsets = [0, 1280], sizes = [512, 128], strides = [1, 1]} : vector<512x4096xf32> to vector<512x128xf32>
    %sub3A_115 = vector.broadcast %broadcast_in_dim3A : vector<512x1xf32> to vector<512x128xf32>
    %sub3A_116 = arith.subf %sub3A_115, %slice3A_114 : vector<512x128xf32>
    %slice3A_117 = vector.extract_strided_slice %broadcast_in_dim3A_13 {offsets = [0, 1280], sizes = [1, 128], strides = [1, 1]} : vector<1x4096xf32> to vector<1x128xf32>
    %add3A_118 = vector.broadcast %slice3A_117 : vector<1x128xf32> to vector<512x128xf32>
    %add3A_119 = arith.addf %sub3A_116, %add3A_118 : vector<512x128xf32>
    %lt3A_120 = arith.cmpf olt, %add3A_119, %min3A_113 : vector<512x128xf32>
    %jit3A_121 = arith.constant 1.000000e+01 : f32
    %broadcast_in_dim3A_122 = vector.broadcast %jit3A_121 : f32 to vector<512x128xf32>
    %select_n3A_123 = arith.select %lt3A_120, %broadcast_in_dim3A_122, %select_n3A_112 : vector<512x128xi1>, vector<512x128xf32>
    %min3A_124 = arith.minimumf %min3A_113, %add3A_119 : vector<512x128xf32>
    %slice3A_125 = vector.extract_strided_slice %dot_general3A_5 {offsets = [0, 1408], sizes = [512, 128], strides = [1, 1]} : vector<512x4096xf32> to vector<512x128xf32>
    %sub3A_126 = vector.broadcast %broadcast_in_dim3A : vector<512x1xf32> to vector<512x128xf32>
    %sub3A_127 = arith.subf %sub3A_126, %slice3A_125 : vector<512x128xf32>
    %slice3A_128 = vector.extract_strided_slice %broadcast_in_dim3A_13 {offsets = [0, 1408], sizes = [1, 128], strides = [1, 1]} : vector<1x4096xf32> to vector<1x128xf32>
    %add3A_129 = vector.broadcast %slice3A_128 : vector<1x128xf32> to vector<512x128xf32>
    %add3A_130 = arith.addf %sub3A_127, %add3A_129 : vector<512x128xf32>
    %lt3A_131 = arith.cmpf olt, %add3A_130, %min3A_124 : vector<512x128xf32>
    %jit3A_132 = arith.constant 1.100000e+01 : f32
    %broadcast_in_dim3A_133 = vector.broadcast %jit3A_132 : f32 to vector<512x128xf32>
    %select_n3A_134 = arith.select %lt3A_131, %broadcast_in_dim3A_133, %select_n3A_123 : vector<512x128xi1>, vector<512x128xf32>
    %min3A_135 = arith.minimumf %min3A_124, %add3A_130 : vector<512x128xf32>
    %slice3A_136 = vector.extract_strided_slice %dot_general3A_5 {offsets = [0, 1536], sizes = [512, 128], strides = [1, 1]} : vector<512x4096xf32> to vector<512x128xf32>
    %sub3A_137 = vector.broadcast %broadcast_in_dim3A : vector<512x1xf32> to vector<512x128xf32>
    %sub3A_138 = arith.subf %sub3A_137, %slice3A_136 : vector<512x128xf32>
    %slice3A_139 = vector.extract_strided_slice %broadcast_in_dim3A_13 {offsets = [0, 1536], sizes = [1, 128], strides = [1, 1]} : vector<1x4096xf32> to vector<1x128xf32>
    %add3A_140 = vector.broadcast %slice3A_139 : vector<1x128xf32> to vector<512x128xf32>
    %add3A_141 = arith.addf %sub3A_138, %add3A_140 : vector<512x128xf32>
    %lt3A_142 = arith.cmpf olt, %add3A_141, %min3A_135 : vector<512x128xf32>
    %jit3A_143 = arith.constant 1.200000e+01 : f32
    %broadcast_in_dim3A_144 = vector.broadcast %jit3A_143 : f32 to vector<512x128xf32>
    %select_n3A_145 = arith.select %lt3A_142, %broadcast_in_dim3A_144, %select_n3A_134 : vector<512x128xi1>, vector<512x128xf32>
    %min3A_146 = arith.minimumf %min3A_135, %add3A_141 : vector<512x128xf32>
    %slice3A_147 = vector.extract_strided_slice %dot_general3A_5 {offsets = [0, 1664], sizes = [512, 128], strides = [1, 1]} : vector<512x4096xf32> to vector<512x128xf32>
    %sub3A_148 = vector.broadcast %broadcast_in_dim3A : vector<512x1xf32> to vector<512x128xf32>
    %sub3A_149 = arith.subf %sub3A_148, %slice3A_147 : vector<512x128xf32>
    %slice3A_150 = vector.extract_strided_slice %broadcast_in_dim3A_13 {offsets = [0, 1664], sizes = [1, 128], strides = [1, 1]} : vector<1x4096xf32> to vector<1x128xf32>
    %add3A_151 = vector.broadcast %slice3A_150 : vector<1x128xf32> to vector<512x128xf32>
    %add3A_152 = arith.addf %sub3A_149, %add3A_151 : vector<512x128xf32>
    %lt3A_153 = arith.cmpf olt, %add3A_152, %min3A_146 : vector<512x128xf32>
    %jit3A_154 = arith.constant 1.300000e+01 : f32
    %broadcast_in_dim3A_155 = vector.broadcast %jit3A_154 : f32 to vector<512x128xf32>
    %select_n3A_156 = arith.select %lt3A_153, %broadcast_in_dim3A_155, %select_n3A_145 : vector<512x128xi1>, vector<512x128xf32>
    %min3A_157 = arith.minimumf %min3A_146, %add3A_152 : vector<512x128xf32>
    %slice3A_158 = vector.extract_strided_slice %dot_general3A_5 {offsets = [0, 1792], sizes = [512, 128], strides = [1, 1]} : vector<512x4096xf32> to vector<512x128xf32>
    %sub3A_159 = vector.broadcast %broadcast_in_dim3A : vector<512x1xf32> to vector<512x128xf32>
    %sub3A_160 = arith.subf %sub3A_159, %slice3A_158 : vector<512x128xf32>
    %slice3A_161 = vector.extract_strided_slice %broadcast_in_dim3A_13 {offsets = [0, 1792], sizes = [1, 128], strides = [1, 1]} : vector<1x4096xf32> to vector<1x128xf32>
    %add3A_162 = vector.broadcast %slice3A_161 : vector<1x128xf32> to vector<512x128xf32>
    %add3A_163 = arith.addf %sub3A_160, %add3A_162 : vector<512x128xf32>
    %lt3A_164 = arith.cmpf olt, %add3A_163, %min3A_157 : vector<512x128xf32>
    %jit3A_165 = arith.constant 1.400000e+01 : f32
    %broadcast_in_dim3A_166 = vector.broadcast %jit3A_165 : f32 to vector<512x128xf32>
    %select_n3A_167 = arith.select %lt3A_164, %broadcast_in_dim3A_166, %select_n3A_156 : vector<512x128xi1>, vector<512x128xf32>
    %min3A_168 = arith.minimumf %min3A_157, %add3A_163 : vector<512x128xf32>
    %slice3A_169 = vector.extract_strided_slice %dot_general3A_5 {offsets = [0, 1920], sizes = [512, 128], strides = [1, 1]} : vector<512x4096xf32> to vector<512x128xf32>
    %sub3A_170 = vector.broadcast %broadcast_in_dim3A : vector<512x1xf32> to vector<512x128xf32>
    %sub3A_171 = arith.subf %sub3A_170, %slice3A_169 : vector<512x128xf32>
    %slice3A_172 = vector.extract_strided_slice %broadcast_in_dim3A_13 {offsets = [0, 1920], sizes = [1, 128], strides = [1, 1]} : vector<1x4096xf32> to vector<1x128xf32>
    %add3A_173 = vector.broadcast %slice3A_172 : vector<1x128xf32> to vector<512x128xf32>
    %add3A_174 = arith.addf %sub3A_171, %add3A_173 : vector<512x128xf32>
    %lt3A_175 = arith.cmpf olt, %add3A_174, %min3A_168 : vector<512x128xf32>
    %jit3A_176 = arith.constant 1.500000e+01 : f32
    %broadcast_in_dim3A_177 = vector.broadcast %jit3A_176 : f32 to vector<512x128xf32>
    %select_n3A_178 = arith.select %lt3A_175, %broadcast_in_dim3A_177, %select_n3A_167 : vector<512x128xi1>, vector<512x128xf32>
    %min3A_179 = arith.minimumf %min3A_168, %add3A_174 : vector<512x128xf32>
    %slice3A_180 = vector.extract_strided_slice %dot_general3A_5 {offsets = [0, 2048], sizes = [512, 128], strides = [1, 1]} : vector<512x4096xf32> to vector<512x128xf32>
    %sub3A_181 = vector.broadcast %broadcast_in_dim3A : vector<512x1xf32> to vector<512x128xf32>
    %sub3A_182 = arith.subf %sub3A_181, %slice3A_180 : vector<512x128xf32>
    %slice3A_183 = vector.extract_strided_slice %broadcast_in_dim3A_13 {offsets = [0, 2048], sizes = [1, 128], strides = [1, 1]} : vector<1x4096xf32> to vector<1x128xf32>
    %add3A_184 = vector.broadcast %slice3A_183 : vector<1x128xf32> to vector<512x128xf32>
    %add3A_185 = arith.addf %sub3A_182, %add3A_184 : vector<512x128xf32>
    %lt3A_186 = arith.cmpf olt, %add3A_185, %min3A_179 : vector<512x128xf32>
    %jit3A_187 = arith.constant 1.600000e+01 : f32
    %broadcast_in_dim3A_188 = vector.broadcast %jit3A_187 : f32 to vector<512x128xf32>
    %select_n3A_189 = arith.select %lt3A_186, %broadcast_in_dim3A_188, %select_n3A_178 : vector<512x128xi1>, vector<512x128xf32>
    %min3A_190 = arith.minimumf %min3A_179, %add3A_185 : vector<512x128xf32>
    %slice3A_191 = vector.extract_strided_slice %dot_general3A_5 {offsets = [0, 2176], sizes = [512, 128], strides = [1, 1]} : vector<512x4096xf32> to vector<512x128xf32>
    %sub3A_192 = vector.broadcast %broadcast_in_dim3A : vector<512x1xf32> to vector<512x128xf32>
    %sub3A_193 = arith.subf %sub3A_192, %slice3A_191 : vector<512x128xf32>
    %slice3A_194 = vector.extract_strided_slice %broadcast_in_dim3A_13 {offsets = [0, 2176], sizes = [1, 128], strides = [1, 1]} : vector<1x4096xf32> to vector<1x128xf32>
    %add3A_195 = vector.broadcast %slice3A_194 : vector<1x128xf32> to vector<512x128xf32>
    %add3A_196 = arith.addf %sub3A_193, %add3A_195 : vector<512x128xf32>
    %lt3A_197 = arith.cmpf olt, %add3A_196, %min3A_190 : vector<512x128xf32>
    %jit3A_198 = arith.constant 1.700000e+01 : f32
    %broadcast_in_dim3A_199 = vector.broadcast %jit3A_198 : f32 to vector<512x128xf32>
    %select_n3A_200 = arith.select %lt3A_197, %broadcast_in_dim3A_199, %select_n3A_189 : vector<512x128xi1>, vector<512x128xf32>
    %min3A_201 = arith.minimumf %min3A_190, %add3A_196 : vector<512x128xf32>
    %slice3A_202 = vector.extract_strided_slice %dot_general3A_5 {offsets = [0, 2304], sizes = [512, 128], strides = [1, 1]} : vector<512x4096xf32> to vector<512x128xf32>
    %sub3A_203 = vector.broadcast %broadcast_in_dim3A : vector<512x1xf32> to vector<512x128xf32>
    %sub3A_204 = arith.subf %sub3A_203, %slice3A_202 : vector<512x128xf32>
    %slice3A_205 = vector.extract_strided_slice %broadcast_in_dim3A_13 {offsets = [0, 2304], sizes = [1, 128], strides = [1, 1]} : vector<1x4096xf32> to vector<1x128xf32>
    %add3A_206 = vector.broadcast %slice3A_205 : vector<1x128xf32> to vector<512x128xf32>
    %add3A_207 = arith.addf %sub3A_204, %add3A_206 : vector<512x128xf32>
    %lt3A_208 = arith.cmpf olt, %add3A_207, %min3A_201 : vector<512x128xf32>
    %jit3A_209 = arith.constant 1.800000e+01 : f32
    %broadcast_in_dim3A_210 = vector.broadcast %jit3A_209 : f32 to vector<512x128xf32>
    %select_n3A_211 = arith.select %lt3A_208, %broadcast_in_dim3A_210, %select_n3A_200 : vector<512x128xi1>, vector<512x128xf32>
    %min3A_212 = arith.minimumf %min3A_201, %add3A_207 : vector<512x128xf32>
    %slice3A_213 = vector.extract_strided_slice %dot_general3A_5 {offsets = [0, 2432], sizes = [512, 128], strides = [1, 1]} : vector<512x4096xf32> to vector<512x128xf32>
    %sub3A_214 = vector.broadcast %broadcast_in_dim3A : vector<512x1xf32> to vector<512x128xf32>
    %sub3A_215 = arith.subf %sub3A_214, %slice3A_213 : vector<512x128xf32>
    %slice3A_216 = vector.extract_strided_slice %broadcast_in_dim3A_13 {offsets = [0, 2432], sizes = [1, 128], strides = [1, 1]} : vector<1x4096xf32> to vector<1x128xf32>
    %add3A_217 = vector.broadcast %slice3A_216 : vector<1x128xf32> to vector<512x128xf32>
    %add3A_218 = arith.addf %sub3A_215, %add3A_217 : vector<512x128xf32>
    %lt3A_219 = arith.cmpf olt, %add3A_218, %min3A_212 : vector<512x128xf32>
    %jit3A_220 = arith.constant 1.900000e+01 : f32
    %broadcast_in_dim3A_221 = vector.broadcast %jit3A_220 : f32 to vector<512x128xf32>
    %select_n3A_222 = arith.select %lt3A_219, %broadcast_in_dim3A_221, %select_n3A_211 : vector<512x128xi1>, vector<512x128xf32>
    %min3A_223 = arith.minimumf %min3A_212, %add3A_218 : vector<512x128xf32>
    %slice3A_224 = vector.extract_strided_slice %dot_general3A_5 {offsets = [0, 2560], sizes = [512, 128], strides = [1, 1]} : vector<512x4096xf32> to vector<512x128xf32>
    %sub3A_225 = vector.broadcast %broadcast_in_dim3A : vector<512x1xf32> to vector<512x128xf32>
    %sub3A_226 = arith.subf %sub3A_225, %slice3A_224 : vector<512x128xf32>
    %slice3A_227 = vector.extract_strided_slice %broadcast_in_dim3A_13 {offsets = [0, 2560], sizes = [1, 128], strides = [1, 1]} : vector<1x4096xf32> to vector<1x128xf32>
    %add3A_228 = vector.broadcast %slice3A_227 : vector<1x128xf32> to vector<512x128xf32>
    %add3A_229 = arith.addf %sub3A_226, %add3A_228 : vector<512x128xf32>
    %lt3A_230 = arith.cmpf olt, %add3A_229, %min3A_223 : vector<512x128xf32>
    %jit3A_231 = arith.constant 2.000000e+01 : f32
    %broadcast_in_dim3A_232 = vector.broadcast %jit3A_231 : f32 to vector<512x128xf32>
    %select_n3A_233 = arith.select %lt3A_230, %broadcast_in_dim3A_232, %select_n3A_222 : vector<512x128xi1>, vector<512x128xf32>
    %min3A_234 = arith.minimumf %min3A_223, %add3A_229 : vector<512x128xf32>
    %slice3A_235 = vector.extract_strided_slice %dot_general3A_5 {offsets = [0, 2688], sizes = [512, 128], strides = [1, 1]} : vector<512x4096xf32> to vector<512x128xf32>
    %sub3A_236 = vector.broadcast %broadcast_in_dim3A : vector<512x1xf32> to vector<512x128xf32>
    %sub3A_237 = arith.subf %sub3A_236, %slice3A_235 : vector<512x128xf32>
    %slice3A_238 = vector.extract_strided_slice %broadcast_in_dim3A_13 {offsets = [0, 2688], sizes = [1, 128], strides = [1, 1]} : vector<1x4096xf32> to vector<1x128xf32>
    %add3A_239 = vector.broadcast %slice3A_238 : vector<1x128xf32> to vector<512x128xf32>
    %add3A_240 = arith.addf %sub3A_237, %add3A_239 : vector<512x128xf32>
    %lt3A_241 = arith.cmpf olt, %add3A_240, %min3A_234 : vector<512x128xf32>
    %jit3A_242 = arith.constant 2.100000e+01 : f32
    %broadcast_in_dim3A_243 = vector.broadcast %jit3A_242 : f32 to vector<512x128xf32>
    %select_n3A_244 = arith.select %lt3A_241, %broadcast_in_dim3A_243, %select_n3A_233 : vector<512x128xi1>, vector<512x128xf32>
    %min3A_245 = arith.minimumf %min3A_234, %add3A_240 : vector<512x128xf32>
    %slice3A_246 = vector.extract_strided_slice %dot_general3A_5 {offsets = [0, 2816], sizes = [512, 128], strides = [1, 1]} : vector<512x4096xf32> to vector<512x128xf32>
    %sub3A_247 = vector.broadcast %broadcast_in_dim3A : vector<512x1xf32> to vector<512x128xf32>
    %sub3A_248 = arith.subf %sub3A_247, %slice3A_246 : vector<512x128xf32>
    %slice3A_249 = vector.extract_strided_slice %broadcast_in_dim3A_13 {offsets = [0, 2816], sizes = [1, 128], strides = [1, 1]} : vector<1x4096xf32> to vector<1x128xf32>
    %add3A_250 = vector.broadcast %slice3A_249 : vector<1x128xf32> to vector<512x128xf32>
    %add3A_251 = arith.addf %sub3A_248, %add3A_250 : vector<512x128xf32>
    %lt3A_252 = arith.cmpf olt, %add3A_251, %min3A_245 : vector<512x128xf32>
    %jit3A_253 = arith.constant 2.200000e+01 : f32
    %broadcast_in_dim3A_254 = vector.broadcast %jit3A_253 : f32 to vector<512x128xf32>
    %select_n3A_255 = arith.select %lt3A_252, %broadcast_in_dim3A_254, %select_n3A_244 : vector<512x128xi1>, vector<512x128xf32>
    %min3A_256 = arith.minimumf %min3A_245, %add3A_251 : vector<512x128xf32>
    %slice3A_257 = vector.extract_strided_slice %dot_general3A_5 {offsets = [0, 2944], sizes = [512, 128], strides = [1, 1]} : vector<512x4096xf32> to vector<512x128xf32>
    %sub3A_258 = vector.broadcast %broadcast_in_dim3A : vector<512x1xf32> to vector<512x128xf32>
    %sub3A_259 = arith.subf %sub3A_258, %slice3A_257 : vector<512x128xf32>
    %slice3A_260 = vector.extract_strided_slice %broadcast_in_dim3A_13 {offsets = [0, 2944], sizes = [1, 128], strides = [1, 1]} : vector<1x4096xf32> to vector<1x128xf32>
    %add3A_261 = vector.broadcast %slice3A_260 : vector<1x128xf32> to vector<512x128xf32>
    %add3A_262 = arith.addf %sub3A_259, %add3A_261 : vector<512x128xf32>
    %lt3A_263 = arith.cmpf olt, %add3A_262, %min3A_256 : vector<512x128xf32>
    %jit3A_264 = arith.constant 2.300000e+01 : f32
    %broadcast_in_dim3A_265 = vector.broadcast %jit3A_264 : f32 to vector<512x128xf32>
    %select_n3A_266 = arith.select %lt3A_263, %broadcast_in_dim3A_265, %select_n3A_255 : vector<512x128xi1>, vector<512x128xf32>
    %min3A_267 = arith.minimumf %min3A_256, %add3A_262 : vector<512x128xf32>
    %slice3A_268 = vector.extract_strided_slice %dot_general3A_5 {offsets = [0, 3072], sizes = [512, 128], strides = [1, 1]} : vector<512x4096xf32> to vector<512x128xf32>
    %sub3A_269 = vector.broadcast %broadcast_in_dim3A : vector<512x1xf32> to vector<512x128xf32>
    %sub3A_270 = arith.subf %sub3A_269, %slice3A_268 : vector<512x128xf32>
    %slice3A_271 = vector.extract_strided_slice %broadcast_in_dim3A_13 {offsets = [0, 3072], sizes = [1, 128], strides = [1, 1]} : vector<1x4096xf32> to vector<1x128xf32>
    %add3A_272 = vector.broadcast %slice3A_271 : vector<1x128xf32> to vector<512x128xf32>
    %add3A_273 = arith.addf %sub3A_270, %add3A_272 : vector<512x128xf32>
    %lt3A_274 = arith.cmpf olt, %add3A_273, %min3A_267 : vector<512x128xf32>
    %jit3A_275 = arith.constant 2.400000e+01 : f32
    %broadcast_in_dim3A_276 = vector.broadcast %jit3A_275 : f32 to vector<512x128xf32>
    %select_n3A_277 = arith.select %lt3A_274, %broadcast_in_dim3A_276, %select_n3A_266 : vector<512x128xi1>, vector<512x128xf32>
    %min3A_278 = arith.minimumf %min3A_267, %add3A_273 : vector<512x128xf32>
    %slice3A_279 = vector.extract_strided_slice %dot_general3A_5 {offsets = [0, 3200], sizes = [512, 128], strides = [1, 1]} : vector<512x4096xf32> to vector<512x128xf32>
    %sub3A_280 = vector.broadcast %broadcast_in_dim3A : vector<512x1xf32> to vector<512x128xf32>
    %sub3A_281 = arith.subf %sub3A_280, %slice3A_279 : vector<512x128xf32>
    %slice3A_282 = vector.extract_strided_slice %broadcast_in_dim3A_13 {offsets = [0, 3200], sizes = [1, 128], strides = [1, 1]} : vector<1x4096xf32> to vector<1x128xf32>
    %add3A_283 = vector.broadcast %slice3A_282 : vector<1x128xf32> to vector<512x128xf32>
    %add3A_284 = arith.addf %sub3A_281, %add3A_283 : vector<512x128xf32>
    %lt3A_285 = arith.cmpf olt, %add3A_284, %min3A_278 : vector<512x128xf32>
    %jit3A_286 = arith.constant 2.500000e+01 : f32
    %broadcast_in_dim3A_287 = vector.broadcast %jit3A_286 : f32 to vector<512x128xf32>
    %select_n3A_288 = arith.select %lt3A_285, %broadcast_in_dim3A_287, %select_n3A_277 : vector<512x128xi1>, vector<512x128xf32>
    %min3A_289 = arith.minimumf %min3A_278, %add3A_284 : vector<512x128xf32>
    %slice3A_290 = vector.extract_strided_slice %dot_general3A_5 {offsets = [0, 3328], sizes = [512, 128], strides = [1, 1]} : vector<512x4096xf32> to vector<512x128xf32>
    %sub3A_291 = vector.broadcast %broadcast_in_dim3A : vector<512x1xf32> to vector<512x128xf32>
    %sub3A_292 = arith.subf %sub3A_291, %slice3A_290 : vector<512x128xf32>
    %slice3A_293 = vector.extract_strided_slice %broadcast_in_dim3A_13 {offsets = [0, 3328], sizes = [1, 128], strides = [1, 1]} : vector<1x4096xf32> to vector<1x128xf32>
    %add3A_294 = vector.broadcast %slice3A_293 : vector<1x128xf32> to vector<512x128xf32>
    %add3A_295 = arith.addf %sub3A_292, %add3A_294 : vector<512x128xf32>
    %lt3A_296 = arith.cmpf olt, %add3A_295, %min3A_289 : vector<512x128xf32>
    %jit3A_297 = arith.constant 2.600000e+01 : f32
    %broadcast_in_dim3A_298 = vector.broadcast %jit3A_297 : f32 to vector<512x128xf32>
    %select_n3A_299 = arith.select %lt3A_296, %broadcast_in_dim3A_298, %select_n3A_288 : vector<512x128xi1>, vector<512x128xf32>
    %min3A_300 = arith.minimumf %min3A_289, %add3A_295 : vector<512x128xf32>
    %slice3A_301 = vector.extract_strided_slice %dot_general3A_5 {offsets = [0, 3456], sizes = [512, 128], strides = [1, 1]} : vector<512x4096xf32> to vector<512x128xf32>
    %sub3A_302 = vector.broadcast %broadcast_in_dim3A : vector<512x1xf32> to vector<512x128xf32>
    %sub3A_303 = arith.subf %sub3A_302, %slice3A_301 : vector<512x128xf32>
    %slice3A_304 = vector.extract_strided_slice %broadcast_in_dim3A_13 {offsets = [0, 3456], sizes = [1, 128], strides = [1, 1]} : vector<1x4096xf32> to vector<1x128xf32>
    %add3A_305 = vector.broadcast %slice3A_304 : vector<1x128xf32> to vector<512x128xf32>
    %add3A_306 = arith.addf %sub3A_303, %add3A_305 : vector<512x128xf32>
    %lt3A_307 = arith.cmpf olt, %add3A_306, %min3A_300 : vector<512x128xf32>
    %jit3A_308 = arith.constant 2.700000e+01 : f32
    %broadcast_in_dim3A_309 = vector.broadcast %jit3A_308 : f32 to vector<512x128xf32>
    %select_n3A_310 = arith.select %lt3A_307, %broadcast_in_dim3A_309, %select_n3A_299 : vector<512x128xi1>, vector<512x128xf32>
    %min3A_311 = arith.minimumf %min3A_300, %add3A_306 : vector<512x128xf32>
    %slice3A_312 = vector.extract_strided_slice %dot_general3A_5 {offsets = [0, 3584], sizes = [512, 128], strides = [1, 1]} : vector<512x4096xf32> to vector<512x128xf32>
    %sub3A_313 = vector.broadcast %broadcast_in_dim3A : vector<512x1xf32> to vector<512x128xf32>
    %sub3A_314 = arith.subf %sub3A_313, %slice3A_312 : vector<512x128xf32>
    %slice3A_315 = vector.extract_strided_slice %broadcast_in_dim3A_13 {offsets = [0, 3584], sizes = [1, 128], strides = [1, 1]} : vector<1x4096xf32> to vector<1x128xf32>
    %add3A_316 = vector.broadcast %slice3A_315 : vector<1x128xf32> to vector<512x128xf32>
    %add3A_317 = arith.addf %sub3A_314, %add3A_316 : vector<512x128xf32>
    %lt3A_318 = arith.cmpf olt, %add3A_317, %min3A_311 : vector<512x128xf32>
    %jit3A_319 = arith.constant 2.800000e+01 : f32
    %broadcast_in_dim3A_320 = vector.broadcast %jit3A_319 : f32 to vector<512x128xf32>
    %select_n3A_321 = arith.select %lt3A_318, %broadcast_in_dim3A_320, %select_n3A_310 : vector<512x128xi1>, vector<512x128xf32>
    %min3A_322 = arith.minimumf %min3A_311, %add3A_317 : vector<512x128xf32>
    %slice3A_323 = vector.extract_strided_slice %dot_general3A_5 {offsets = [0, 3712], sizes = [512, 128], strides = [1, 1]} : vector<512x4096xf32> to vector<512x128xf32>
    %sub3A_324 = vector.broadcast %broadcast_in_dim3A : vector<512x1xf32> to vector<512x128xf32>
    %sub3A_325 = arith.subf %sub3A_324, %slice3A_323 : vector<512x128xf32>
    %slice3A_326 = vector.extract_strided_slice %broadcast_in_dim3A_13 {offsets = [0, 3712], sizes = [1, 128], strides = [1, 1]} : vector<1x4096xf32> to vector<1x128xf32>
    %add3A_327 = vector.broadcast %slice3A_326 : vector<1x128xf32> to vector<512x128xf32>
    %add3A_328 = arith.addf %sub3A_325, %add3A_327 : vector<512x128xf32>
    %lt3A_329 = arith.cmpf olt, %add3A_328, %min3A_322 : vector<512x128xf32>
    %jit3A_330 = arith.constant 2.900000e+01 : f32
    %broadcast_in_dim3A_331 = vector.broadcast %jit3A_330 : f32 to vector<512x128xf32>
    %select_n3A_332 = arith.select %lt3A_329, %broadcast_in_dim3A_331, %select_n3A_321 : vector<512x128xi1>, vector<512x128xf32>
    %min3A_333 = arith.minimumf %min3A_322, %add3A_328 : vector<512x128xf32>
    %slice3A_334 = vector.extract_strided_slice %dot_general3A_5 {offsets = [0, 3840], sizes = [512, 128], strides = [1, 1]} : vector<512x4096xf32> to vector<512x128xf32>
    %sub3A_335 = vector.broadcast %broadcast_in_dim3A : vector<512x1xf32> to vector<512x128xf32>
    %sub3A_336 = arith.subf %sub3A_335, %slice3A_334 : vector<512x128xf32>
    %slice3A_337 = vector.extract_strided_slice %broadcast_in_dim3A_13 {offsets = [0, 3840], sizes = [1, 128], strides = [1, 1]} : vector<1x4096xf32> to vector<1x128xf32>
    %add3A_338 = vector.broadcast %slice3A_337 : vector<1x128xf32> to vector<512x128xf32>
    %add3A_339 = arith.addf %sub3A_336, %add3A_338 : vector<512x128xf32>
    %lt3A_340 = arith.cmpf olt, %add3A_339, %min3A_333 : vector<512x128xf32>
    %jit3A_341 = arith.constant 3.000000e+01 : f32
    %broadcast_in_dim3A_342 = vector.broadcast %jit3A_341 : f32 to vector<512x128xf32>
    %select_n3A_343 = arith.select %lt3A_340, %broadcast_in_dim3A_342, %select_n3A_332 : vector<512x128xi1>, vector<512x128xf32>
    %min3A_344 = arith.minimumf %min3A_333, %add3A_339 : vector<512x128xf32>
    %slice3A_345 = vector.extract_strided_slice %dot_general3A_5 {offsets = [0, 3968], sizes = [512, 128], strides = [1, 1]} : vector<512x4096xf32> to vector<512x128xf32>
    %sub3A_346 = vector.broadcast %broadcast_in_dim3A : vector<512x1xf32> to vector<512x128xf32>
    %sub3A_347 = arith.subf %sub3A_346, %slice3A_345 : vector<512x128xf32>
    %slice3A_348 = vector.extract_strided_slice %broadcast_in_dim3A_13 {offsets = [0, 3968], sizes = [1, 128], strides = [1, 1]} : vector<1x4096xf32> to vector<1x128xf32>
    %add3A_349 = vector.broadcast %slice3A_348 : vector<1x128xf32> to vector<512x128xf32>
    %add3A_350 = arith.addf %sub3A_347, %add3A_349 : vector<512x128xf32>
    %lt3A_351 = arith.cmpf olt, %add3A_350, %min3A_344 : vector<512x128xf32>
    %jit3A_352 = arith.constant 3.100000e+01 : f32
    %broadcast_in_dim3A_353 = vector.broadcast %jit3A_352 : f32 to vector<512x128xf32>
    %select_n3A_354 = arith.select %lt3A_351, %broadcast_in_dim3A_353, %select_n3A_343 : vector<512x128xi1>, vector<512x128xf32>
    %min3A_355 = arith.minimumf %min3A_344, %add3A_350 : vector<512x128xf32>
    %reduce_min3A = arith.constant dense<0x7F800000> : vector<512xf32>
    %reduce_min3A_356 = vector.multi_reduction <minimumf>, %min3A_355, %reduce_min3A [1] : vector<512x128xf32> to vector<512xf32>
    %broadcast_in_dim3A_357 = vector.shape_cast %reduce_min3A_356 : vector<512xf32> to vector<512x1xf32>
    %iota3A = tpu.iota {dimensions = array<i32: 1>} : vector<512x128xi32>
    %convert_element_type3A = arith.sitofp %iota3A : vector<512x128xi32> to vector<512x128xf32>
    %eq3A = vector.broadcast %broadcast_in_dim3A_357 : vector<512x1xf32> to vector<512x128xf32>
    %eq3A_358 = arith.cmpf oeq, %min3A_355, %eq3A : vector<512x128xf32>
    %mul3A_359 = arith.constant 1.280000e+02 : f32
    %mul3A_360 = vector.broadcast %mul3A_359 : f32 to vector<512x128xf32>
    %mul3A_361 = arith.mulf %select_n3A_354, %mul3A_360 : vector<512x128xf32>
    %add3A_362 = arith.addf %mul3A_361, %convert_element_type3A : vector<512x128xf32>
    %jit3A_363 = arith.constant 4.096000e+03 : f32
    %broadcast_in_dim3A_364 = vector.broadcast %jit3A_363 : f32 to vector<512x128xf32>
    %select_n3A_365 = arith.select %eq3A_358, %add3A_362, %broadcast_in_dim3A_364 : vector<512x128xi1>, vector<512x128xf32>
    %reduce_min3A_366 = arith.constant dense<0x7F800000> : vector<512xf32>
    %reduce_min3A_367 = vector.multi_reduction <minimumf>, %select_n3A_365, %reduce_min3A_366 [1] : vector<512x128xf32> to vector<512xf32>
    %convert_element_type3A_368 = arith.fptosi %reduce_min3A_367 : vector<512xf32> to vector<512xi32>
    %swap3A = arith.constant 0 : index
    %swap3A_369 = arith.constant 0 : index
    %swap3A_370 = arith.constant 0 : index
    %swap3A_371 = vector.load %arg3[%swap3A, %swap3A_369, %swap3A_370] : memref<1x1x512xi32, #tpu.memory_space<vmem>>, vector<1x1x512xi32>
    %swap3A_372 = vector.shape_cast %swap3A_371 : vector<1x1x512xi32> to vector<512xi32>
    %swap3A_373 = vector.shape_cast %convert_element_type3A_368 : vector<512xi32> to vector<1x1x512xi32>
    tpu.vector_store %arg3[%swap3A, %swap3A_369, %swap3A_370], %swap3A_373 {strides = array<i32>} : memref<1x1x512xi32, #tpu.memory_space<vmem>>, vector<1x1x512xi32>,
    %reduce_sum3A_374 = vector.shape_cast %broadcast_in_dim3A_357 : vector<512x1xf32> to vector<1x512x1xf32>
    %reduce_sum3A_375 = arith.constant dense<0.000000e+00> : vector<1xf32>
    %reduce_sum3A_376 = vector.multi_reduction <add>, %reduce_sum3A_374, %reduce_sum3A_375 [1, 2] : vector<1x512x1xf32> to vector<1xf32>
    %reduce_sum3A_377 = vector.shape_cast %reduce_sum3A_376 : vector<1xf32> to vector<1x1x1xf32>
    %reduce_sum3A_378 = vector.extract %reduce_sum3A_377[0, 0, 0] : f32 from vector<1x1x1xf32>
    %reshape3A = vector.broadcast %reduce_sum3A_378 : f32 to vector<1x1xf32>
    %eq3A_379 = arith.constant 0 : i32
    %eq3A_380 = arith.cmpi eq, %arg0, %eq3A_379 : i32
    %convert_element_type3A_381 = arith.extui %eq3A_380 : i1 to i32
    %cond3A = arith.constant 0 : i32
    %cond3A_382 = arith.cmpi ne, %convert_element_type3A_381, %cond3A : i32
    scf.if %cond3A_382 {
      %swap3A_387 = arith.constant 0 : index
      %swap3A_388 = arith.constant 0 : index
      %swap3A_389 = vector.load %arg4[%swap3A_387, %swap3A_388] : memref<1x1xf32, #tpu.memory_space<vmem>>, vector<1x1xf32>
      tpu.vector_store %arg4[%swap3A_387, %swap3A_388], %reshape3A {strides = array<i32>} : memref<1x1xf32, #tpu.memory_space<vmem>>, vector<1x1xf32>,
    } else {
    }
    %ne3A = arith.constant 0 : i32
    %ne3A_383 = arith.cmpi ne, %arg0, %ne3A : i32
    %convert_element_type3A_384 = arith.extui %ne3A_383 : i1 to i32
    %cond3A_385 = arith.constant 0 : i32
    %cond3A_386 = arith.cmpi ne, %convert_element_type3A_384, %cond3A_385 : i32
    scf.if %cond3A_386 {
      %get3A_387 = arith.constant 0 : index
      %get3A_388 = arith.constant 0 : index
      %get3A_389 = vector.load %arg4[%get3A_387, %get3A_388] : memref<1x1xf32, #tpu.memory_space<vmem>>, vector<1x1xf32>
      %add3A_390 = arith.addf %get3A_389, %reshape3A : vector<1x1xf32>
      %swap3A_391 = arith.constant 0 : index
      %swap3A_392 = arith.constant 0 : index
      %swap3A_393 = vector.load %arg4[%swap3A_391, %swap3A_392] : memref<1x1xf32, #tpu.memory_space<vmem>>, vector<1x1xf32>
      tpu.vector_store %arg4[%swap3A_391, %swap3A_392], %add3A_390 {strides = array<i32>} : memref<1x1xf32, #tpu.memory_space<vmem>>, vector<1x1xf32>,
    } else {
    }
    return
  }
  func.func @transform_0(%arg0: i32) -> (i32, i32) {
    %c0_i32 = arith.constant 0 : i32
    %c0_i32_0 = arith.constant 0 : i32
    return %arg0, %c0_i32 : i32, i32
  }
  func.func @transform_1(%arg0: i32) -> (i32, i32) {
    %c0_i32 = arith.constant 0 : i32
    %c0_i32_0 = arith.constant 0 : i32
    %c0_i32_1 = arith.constant 0 : i32
    return %c0_i32, %c0_i32_0 : i32, i32
  }
  func.func @transform_2(%arg0: i32) -> (i32, i32, i32) {
    %c0_i32 = arith.constant 0 : i32
    %c0_i32_0 = arith.constant 0 : i32
    %c0_i32_1 = arith.constant 0 : i32
    return %arg0, %c0_i32, %c0_i32_0 : i32, i32, i32
  }
  func.func @transform_3(%arg0: i32) -> (i32, i32) {
    %c0_i32 = arith.constant 0 : i32
    %c0_i32_0 = arith.constant 0 : i32
    %c0_i32_1 = arith.constant 0 : i32
    return %c0_i32, %c0_i32_0 : i32, i32
  }
}

</mosaic_0001>

<sc_bundles>
// kernel: kernel.6.cloned.1.call-start
scs
__scs_entry_jumppad:
0x0: {  	(pc) =	sbr.rel $0x88, $3  }
0x1: {  	(tag) =	ssettag $0x0;
	lr =	simm.s32 $0x1  }
0x2: {  	[smem:$0x3F9F] =	sst lr;
	_ =	strace $0xD0000000  }
0x3: {  	_ = 	snop  }
0x4: {  	_ = 	snop  }
0x5: {  	_ = 	snop  }
0x6: {  	_ = 	snop  }
0x7: {  	_ = 	snop  }
__scs_overlays_trampoline_lowered:
0x8: {  	[smem:$0x3FAE] =	sst s0  }
0x9: {  	[smem:$0x3FAF] =	sst s1  }
0xa: {  	[smem:$0x3FB0] =	sst s2  }
0xb: {  	[smem:$0x3FB1] =	sst s3  }
0xc: {  	[smem:$0x3FB2] =	sst s4  }
0xd: {  	[smem:$0x3FB3] =	sst s5  }
0xe: {  	[smem:$0x3FB4] =	sst s6  }
0xf: {  	[smem:$0x3FB5] =	sst s7  }
0x10: {  	[smem:$0x3FB6] =	sst s8  }
0x11: {  	[smem:$0x3FB7] =	sst s9;
	s0 =	simm.s32 @!p0 $0x0  }
0x12: {  	s1 =	sld [smem:$0x3F9D];
	s0 =	simm.s32 @p0 $0x1  }
0x13: {  	[smem:$0x3FB8] =	sst s0;
	s0 =	simm.s32 @!p1 $0x0  }
0x14: {  	s2 =	sld [smem:$0x3F9C];
	s0 =	simm.s32 @p1 $0x1  }
0x15: {  	[smem:$0x3FB9] =	sst s0;
	s0 =	simm.s32 @!p2 $0x0  }
0x16: {  	s3 =	sld [smem:$0x3FDB];
	s0 =	simm.s32 @p2 $0x1  }
0x17: {  	s4 =	simm.s32 $0x1BF5;
	[smem:$0x3FBB] =	sst s0  }
0x18: {  	s0 =	sld [smem:$0x3F9E];
	_ =	swait.ge [sflag:s4], $0x0  }
0x19: {  	s7 =	sld [smem:$0x3F9F]  }
0x1a: {  	s8 =	sadd.s32 $0xFFFFE003, lr  }
0x1b: {  	s9 =	sadd.s32 $0xFFFFFEF7, lr;
	s5 =	simm.s32 $0xFFFFFFFF;
	p2 =	slt.u32 s8, $0xFFFFF086  }
0x1c: {  	p1 =	slt.u32 s9, $0xF7A;
	s5 =	simm.s32 @!p2 $0x0  }
0x1d: {  	s5 =	simm.s32 @p1 $0x1;
	p0 =	seq.s32 s7, s2  }
0x1e: {  	s7 =	smul.u32 @!p0 $0xF7A, s2;
	p2 =	seq.s32 @!p0 s5, $0x0  }
0x1f: {  	s9 =	smul.u32 $0xF7A, s1;
	s8 =	simm.s32 @!p0 $0x1BF5;
	p2 =	por !p2, p0  }
0x20: {  	[sflag:s8] =	ssyncset.s32 @!p0 $0xFFFFF086;
	s6 =	sadd.s32 @!p0 s3, s7;
	s7 =	simm.s32 @!p0 $0x108  }
0x21: {  	s3 =	sadd.s32 s3, s9;
	s6 =	sadd.s32 @!p0 $0x88, s6;
	s7 =	simm.s32 @p2 $0x1082  }
0x22: {  	[simem:s7], [sflag:s8] =	dma.local @!p0 [hbm:s6], $0xF7A  }
0x23: {  	s9 =	sor.u32 $0xD0000000, s2;
	s6 =	simm.s32 $0x108;
	_ =	swait.ge @!p0 [sflag:s8], $0x0  }
0x24: {  	s3 =	sadd.s32 $0x88, s3;
	s6 =	simm.s32 @!p1 $0x1082;
	[sflag:s4] =	ssyncset.s32 $0xFFFFF086  }
0x25: {  	[simem:s6], [sflag:s4] =	dma.local [hbm:s3], $0xF7A  }
0x26: {  	[smem:$0x3F9F] =	sst s1;
	(tag) =	ssettag s2;
	_ =	strace s9  }
0x27: {  	s1 =	sld [smem:$0x3FAF]  }
0x28: {  	s2 =	sld [smem:$0x3FB0]  }
0x29: {  	s4 =	sld [smem:$0x3FB2]  }
0x2a: {  	p0 =	seq.s32 s5, $0x0;
	s5 =	sld [smem:$0x3FB3]  }
0x2b: {  	s6 =	sld [smem:$0x3FB4]  }
0x2c: {  	s7 =	sld [smem:$0x3FB5]  }
0x2d: {  	s3 =	simm.s32 $0x108;
	s8 =	sld [smem:$0x3FB6]  }
0x2e: {  	s3 =	simm.s32 @!p0 $0x1082;
	s9 =	sld [smem:$0x3FB7]  }
0x2f: {  	lr =	sadd.s32 s0, s3;
	s0 =	sld [smem:$0x3FAE]  }
0x30: {  	s3 =	sld [smem:$0x3FB1]  }
0x31: {  	[smem:$0x3FBA] =	sst s10  }
0x32: {  	s10 =	sld [smem:$0x3FB8];
	_ =	sdelay $0x3  }
0x33: {  	p0 =	seq.s32 s10, $0x1;
	s10 =	sld [smem:$0x3FBA];
	_ =	sdelay $0x3  }
0x34: {  	[smem:$0x3FBA] =	sst s10  }
0x35: {  	s10 =	sld [smem:$0x3FB9];
	_ =	sdelay $0x3  }
0x36: {  	p1 =	seq.s32 s10, $0x1;
	s10 =	sld [smem:$0x3FBA];
	_ =	sdelay $0x3  }
0x37: {  	[smem:$0x3FBA] =	sst s10  }
0x38: {  	s10 =	sld [smem:$0x3FBB]  }
0x39: {  	_ = 	snop;
	(pc) =	sbr.ind lr, $3  }
0x3a: {  	_ = 	snop  }
0x3b: {  	_ = 	snop  }
0x3c: {  	p2 =	seq.s32 s10, $0x1;
	s10 =	sld [smem:$0x3FBA]  }
0x3d: {  	_ =	shalt  }
0x3e: {  	_ =	shalt  }
0x3f: {  	_ =	shalt  }
0x40: {  	_ =	shalt  }
0x41: {  	_ =	shalt  }
0x42: {  	_ =	shalt  }
0x43: {  	_ =	shalt  }
0x44: {  	_ =	shalt  }
0x45: {  	_ =	shalt  }
0x46: {  	_ =	shalt  }
0x47: {  	_ =	shalt  }
0x48: {  	_ =	shalt  }
0x49: {  	_ =	shalt  }
0x4a: {  	_ =	shalt  }
0x4b: {  	_ =	shalt  }
0x4c: {  	_ =	shalt  }
0x4d: {  	_ =	shalt  }
0x4e: {  	_ =	shalt  }
0x4f: {  	_ =	shalt  }
0x50: {  	_ =	shalt  }
0x51: {  	_ =	shalt  }
0x52: {  	_ =	shalt  }
0x53: {  	_ =	shalt  }
0x54: {  	_ =	shalt  }
0x55: {  	_ =	shalt  }
0x56: {  	_ =	shalt  }
0x57: {  	_ =	shalt  }
0x58: {  	_ =	shalt  }
0x59: {  	_ =	shalt  }
0x5a: {  	_ =	shalt  }
0x5b: {  	_ =	shalt  }
0x5c: {  	_ =	shalt  }
0x5d: {  	_ =	shalt  }
0x5e: {  	_ =	shalt  }
0x5f: {  	_ =	shalt  }
0x60: {  	_ =	shalt  }
0x61: {  	_ =	shalt  }
0x62: {  	_ =	shalt  }
0x63: {  	_ =	shalt  }
0x64: {  	_ =	shalt  }
0x65: {  	_ =	shalt  }
0x66: {  	_ =	shalt  }
0x67: {  	_ =	shalt  }
0x68: {  	_ =	shalt  }
0x69: {  	_ =	shalt  }
0x6a: {  	_ =	shalt  }
0x6b: {  	_ =	shalt  }
0x6c: {  	_ =	shalt  }
0x6d: {  	_ =	shalt  }
0x6e: {  	_ =	shalt  }
0x6f: {  	_ =	shalt  }
0x70: {  	_ =	shalt  }
0x71: {  	_ =	shalt  }
0x72: {  	_ =	shalt  }
0x73: {  	_ =	shalt  }
0x74: {  	_ =	shalt  }
0x75: {  	_ =	shalt  }
0x76: {  	_ =	shalt  }
0x77: {  	_ =	shalt  }
0x78: {  	_ =	shalt  }
0x79: {  	_ =	shalt  }
0x7a: {  	_ =	shalt  }
0x7b: {  	_ =	shalt  }
0x7c: {  	_ =	shalt  }
0x7d: {  	_ =	shalt  }
0x7e: {  	_ =	shalt  }
0x7f: {  	_ =	shalt  }
0x80: {  	_ =	shalt  }
0x81: {  	_ =	shalt  }
0x82: {  	_ =	shalt  }
0x83: {  	_ =	shalt  }
0x84: {  	_ =	shalt  }
0x85: {  	_ =	shalt  }
0x86: {  	_ =	shalt  }
0x87: {  	_ =	shalt  }
.Lfunc_end0:
.L_simem_size_0:
called_computation_lowered:
.L_overlay_start_0:
0x88: {  	s2 =	sld [smem:$0x3FD9]  }
0x89: {  	s3 =	sld [smem:$0x3FFE];
	_ =	sdelay $0x1  }
0x8a: {  	s1 =	srdreg.scid  }
0x8b: {  	s0 =	sand.u32 $0x1, s1  }
0x8c: {  	s14 =	sshll.u32 s0, $0xA;
	s2 =	sadd.s32 s3, s2  }
0x8d: {  	s2 =	sadd.s32 s2, s14  }
0x8e: {  	[smem:$0x3FC6] =	sst s2  }
0x8f: {  	_ = 	snop  }
0x90: {  	s2 =	sld [smem:$0x3FD0];
	_ =	sdelay $0x2  }
0x91: {  	s15 =	simm.s32 $0xB;
	s4 =	simm.s32 $0x10  }
0x92: {  	[smem:s4], [sflag:s15] =	dma.local [hbm:s2], $0x1  }
0x93: {  	_ =	swait.eq [sflag:s15], $0x1  }
0x94: {  	[sflag:s15] =	ssyncset.done $0x0  }
0x95: {  	[sflag:s15] =	ssyncadd.s32 $0xFFFFFFFF  }
0x96: {  	s16 =	sld [smem:$0x10];
	(tm) =	ssettm $0x1  }
0x97: {  	s17 =	sld [smem:$0x3FFB];
	_ =	sdelay $0x3  }
0x98: {  	_ =	strace s17  }
0x99: {  	s3 =	sld [smem:$0x3FFC];
	_ =	sdelay $0x3  }
0x9a: {  	_ =	strace s3  }
0x9b: {  	s3 =	sld [smem:$0x3FFD];
	_ =	sdelay $0x3  }
0x9c: {  	_ =	strace s3  }
0x9d: {  	_ =	strace $0x8FFFFFFF  }
0x9e: {  	s18 =	sld [smem:$0x3FDB];
	_ =	sdelay $0x1  }
0x9f: {  	s19 =	simm.s32 $_scs_section_size  }
0xa0: {  	s5 =	simm.s32 $_size__tile_overlayer_lowered;
	s6 =	simm.s32 $_tile_overlayer_lowered  }
0xa1: {  	s22 =	simm.s32 $0x1BFF;
	s21 =	sshll.u32 s6, $0x1;
	s3 =	sadd.s32 s19, s18  }
0xa2: {  	s7 =	simm.s32 $0x0;
	s20 =	sshll.u32 s5, $0x1;
	s5 =	sadd.s32 s21, s3  }
0xa3: {  	[timem:s7], [sflag:s22] =	dma.local [hbm:s5], s20  }
0xa4: {  	_ =	swait.ge [sflag:s22], s20  }
0xa5: {  	s4 =	ssub.s32 $0x0, s20;
	[sflag:s22] =	ssyncset.done $0x0  }
0xa6: {  	[sflag:s22] =	ssyncadd.s32 s4;
	_ =	sdelay $0x1  }
0xa7: {  	s23 =	simm.s32 $0x1B8B  }
0xa8: {  	_ =	swait.ge [sflag:s23], $0x1  }
0xa9: {  	[sflag:s23] =	ssyncset.done $0x0  }
0xaa: {  	s25 =	simm.s32 $0x1B8E;
	s24 =	sld [smem:$0x3FFE];
	[sflag:s23] =	ssyncadd.s32 $0xFFFFFFFF  }
0xab: {  	s26 =	simm.s32 $execute0_lowered;
	[smem:$0x3FD2] =	sst s25  }
0xac: {  	s5 =	sshll.u32 s26, $0x1;
	_ =	strace $0x80000046;
	[dreg:$0x1] =	wrdreg $0xFFFFFFFF  }
0xad: {  	s28 =	simm.s32 $_size_execute0_lowered;
	s3 =	sadd.s32 s3, s5;
	[dreg:$0x0] =	wrdreg $0x0  }
0xae: {  	s5 =	sshll.u32 s28, $0x1;
	[dreg:$0x2] =	wrdreg s3  }
0xaf: {  	[dreg:$0x3] =	wrdreg s5  }
0xb0: {  	[dreg:$0x4] =	wrdreg $0xC0  }
0xb1: {  	_ =	task [dreg:s7], $0x5FFFF  }
0xb2: {  	[dreg:$0x1] =	wrdreg $0xFFFFFFFF  }
0xb3: {  	[dreg:$0x0] =	wrdreg $0x60  }
0xb4: {  	[dreg:$0x2] =	wrdreg s16  }
0xb5: {  	[dreg:$0x3] =	wrdreg s24  }
0xb6: {  	[dreg:$0x4] =	wrdreg $0x9  }
0xb7: {  	_ =	task.clear_ibuf [dreg:s7], $0x5FFFF;
	_ =	strace $0x90000046  }
0xb8: {  	s29 =	simm.s32 $0x9;
	_ =	strace $0x80000048  }
0xb9: {  	_ =	swait.ge [sflag:s29], $0x1  }
0xba: {  	[sflag:s29] =	ssyncadd.s32 $0xFFFFFFFF  }
0xbb: {  	_ =	strace $0x90000048  }
0xbc: {  	_ =	sfence  }
0xbd: {  	s30 =	sld [smem:$0x0];
	_ =	sdelay $0x2  }
0xbe: {  	s31 =	sshll.u32 s1, $0xD;
	s1 =	sshrl.u32 s1, $0x2  }
0xbf: {  	s3 =	sand.u32 $0x4000, s31;
	s1 =	sadd.s32 s1, s30  }
0xc0: {  	s0 =	sor.u32 s3, s0;
	s1 =	sshll.u32 s1, $0x11  }
0xc1: {  	s0 =	sor.u32 s1, s0  }
0xc2: {  	s0 =	sadd.s32 $0x8F2B, s0  }
0xc3: {  	[sflag:s0] =	ssyncadd.remote.s32 $0x1  }
0xc4: {  	_ =	sfence.sel $0xFFFF  }
0xc5: {  	[dreg:$0x0] =	wrdreg $0xFFFFFFFF;
	(pc) =	sbr.abs _section_cstart, $3  }
0xc6: {  	[dreg:$0x1] =	wrdreg $0xFFFFFFFF  }
0xc7: {  	_ =	task.clear_ibuf [dreg:s7], $0x2FFFF;
	_ =	strace $0x9FFFFFFF  }
0xc8: {  	(tm) =	ssettm $0x7FFFFFFF  }
0xc9: {  	_ =	shalt  }
tec
execute0_lowered:
.L_overlay_start_1:
0x0: {  	(tag) =	ssettag $0x1  }
0x1: {  	s1 =	srdreg.scid  }
0x2: {  	s0 =	stileid.u32;
	s6 =	rddreg [dreg:$0x0]  }
0x3: {  	s3 =	rddreg [dreg:$0x1];
	s8 =	simm.s32 $0x80;
	s9 =	simm.s32 $0xE00  }
0x4: {  	s10 =	simm.s32 $0x100;
	s11 =	simm.s32 $0x1600;
	s12 =	simm.s32 $0x180  }
0x5: {  	s13 =	simm.s32 $0x1E00;
	s14 =	simm.s32 $0x200;
	s15 =	simm.s32 $0x2600  }
0x6: {  	s16 =	simm.s32 $0x280;
	s17 =	simm.s32 $0x2E00;
	s18 =	simm.s32 $0x300  }
0x7: {  	s19 =	simm.s32 $0x3600;
	s20 =	simm.s32 $0x380;
	s21 =	simm.s32 $0x3E00  }
0x8: {  	s22 =	simm.s32 $0x400;
	s1 =	sand.u32 $0x1, s1;
	s2 =	sshll.u32 s0, $0x1  }
0x9: {  	s23 =	simm.s32 $0x4600;
	s4 =	sor.u32 s1, s2;
	s1 =	ssub.s32 $0x2, s1  }
0xa: {  	s24 =	simm.s32 $0x480;
	s25 =	simm.s32 $0x4E00;
	s26 =	sshrl.u32 s1, $0x1  }
0xb: {  	p0 =	por $0x0, $0x0;
	s28 =	simm.s32 $0x5600;
	s1 =	ssub.s32 s1, s26  }
0xc: {  	s29 =	simm.s32 $0x580;
	s5 =	smul.u32 $0xC0, s4;
	s1 =	smax.u32 s1, $0x1  }
0xd: {  	s2 =	simm.s32 $0x0;
	s4 =	smul.u32 $0xC00, s4;
	p1 =	sne.s32 s1, $0x1  }
.Ltmp0:
0xe: {  	s30 =	simm.s32 $0x5E00;
	[smem:$0x7FF] =	sst s2;
	(pc) =	sbr.rel @!p1 .LBB2_3-.Ltmp0, $4  }
0xf: {  	s7 =	simm.s32 $0x1;
	_ =	strace $0x80000047;
	s5 =	sadd.s32 s5, s3  }
0x10: {  	s26 =	simm.s32 $0x500;
	s3 =	sadd.s32 s4, s3;
	s5 =	sadd.s32 $0xE00, s5  }
0x11: {  	s4 =	sadd.s32 $0x2600, s3;
	s3 =	simm.s32 $0x2;
	[dreg:$0x3] =	wrdreg s5  }
0x12: {  	s31 =	sadd.s32 $0xFFFFFFFF, s1;
	s5 =	simm.s32 $0x600;
	s1 =	rddreg [dreg:$0x3]  }
0x13: {  	[tilespmem:s2], [sflag:$0x2] =	stream.linear.gather [hbm4b:s1+s2], $0x600, $0x38;
	[tilespmem:$0x6600] =	vst v63  }
0x14: {  	_ =	swait.ge [sflag:s3], $0x600  }
0x15: {  	[sflag:s3] =	ssyncset.done $0x0  }
0x16: {  	[sflag:s3] =	ssyncadd.s32 $0xFFFFFA00  }
0x17: {  	[tilespmem:s5], [sflag:$0x1] =	stream.indirect.gather [hbm4b:s6+s8], $0x10, s2, s8, $0xb8;
	[tilespmem:$0x6600] =	vst v63  }
0x18: {  	_ = 	snop  }
0x19: {  	[tilespmem:s9], [sflag:$0x1] =	stream.indirect.gather [hbm4b:s6+s8], $0x10, s8, s8, $0xb8;
	[tilespmem:$0x6600] =	vst v63  }
0x1a: {  	_ = 	snop  }
0x1b: {  	[tilespmem:s11], [sflag:$0x1] =	stream.indirect.gather [hbm4b:s6+s8], $0x10, s10, s8, $0xb8;
	[tilespmem:$0x6600] =	vst v63  }
0x1c: {  	_ = 	snop  }
0x1d: {  	[tilespmem:s13], [sflag:$0x1] =	stream.indirect.gather [hbm4b:s6+s8], $0x10, s12, s8, $0xb8;
	[tilespmem:$0x6600] =	vst v63  }
0x1e: {  	_ = 	snop  }
0x1f: {  	[tilespmem:s15], [sflag:$0x1] =	stream.indirect.gather [hbm4b:s6+s8], $0x10, s14, s8, $0xb8;
	[tilespmem:$0x6600] =	vst v63  }
0x20: {  	_ = 	snop  }
0x21: {  	[tilespmem:s17], [sflag:$0x1] =	stream.indirect.gather [hbm4b:s6+s8], $0x10, s16, s8, $0xb8;
	[tilespmem:$0x6600] =	vst v63  }
0x22: {  	_ = 	snop  }
0x23: {  	[tilespmem:s19], [sflag:$0x1] =	stream.indirect.gather [hbm4b:s6+s8], $0x10, s18, s8, $0xb8;
	[tilespmem:$0x6600] =	vst v63  }
0x24: {  	_ = 	snop  }
0x25: {  	[tilespmem:s21], [sflag:$0x1] =	stream.indirect.gather [hbm4b:s6+s8], $0x10, s20, s8, $0xb8;
	[tilespmem:$0x6600] =	vst v63  }
0x26: {  	_ = 	snop  }
0x27: {  	[tilespmem:s23], [sflag:$0x1] =	stream.indirect.gather [hbm4b:s6+s8], $0x10, s22, s8, $0xb8;
	[tilespmem:$0x6600] =	vst v63  }
0x28: {  	_ = 	snop  }
0x29: {  	[tilespmem:s25], [sflag:$0x1] =	stream.indirect.gather [hbm4b:s6+s8], $0x10, s24, s8, $0xb8;
	[tilespmem:$0x6600] =	vst v63  }
0x2a: {  	_ = 	snop  }
0x2b: {  	[tilespmem:s28], [sflag:$0x1] =	stream.indirect.gather [hbm4b:s6+s8], $0x10, s26, s8, $0xb8;
	[tilespmem:$0x6600] =	vst v63  }
0x2c: {  	_ = 	snop  }
0x2d: {  	[tilespmem:s30], [sflag:$0x1] =	stream.indirect.gather [hbm4b:s6+s8], $0x10, s29, s8, $0xb8;
	[tilespmem:$0x6600] =	vst v63  }
0x2e: {  	_ =	swait.ge [sflag:s7], $0x800  }
0x2f: {  	[sflag:s7] =	ssyncset.done $0x0  }
0x30: {  	[sflag:s7] =	ssyncadd.s32 $0xFFFFF800  }
0x31: {  	_ =	swait.ge [sflag:s7], $0x800  }
0x32: {  	[sflag:s7] =	ssyncset.done $0x0  }
0x33: {  	[sflag:s7] =	ssyncadd.s32 $0xFFFFF800  }
0x34: {  	_ =	swait.ge [sflag:s7], $0x800  }
0x35: {  	[sflag:s7] =	ssyncset.done $0x0  }
0x36: {  	[sflag:s7] =	ssyncadd.s32 $0xFFFFF800  }
0x37: {  	_ =	swait.ge [sflag:s7], $0x800  }
0x38: {  	[sflag:s7] =	ssyncset.done $0x0  }
0x39: {  	[sflag:s7] =	ssyncadd.s32 $0xFFFFF800  }
0x3a: {  	_ =	swait.ge [sflag:s7], $0x800  }
0x3b: {  	[sflag:s7] =	ssyncset.done $0x0  }
0x3c: {  	[sflag:s7] =	ssyncadd.s32 $0xFFFFF800  }
0x3d: {  	_ =	swait.ge [sflag:s7], $0x800  }
0x3e: {  	[sflag:s7] =	ssyncset.done $0x0  }
0x3f: {  	[sflag:s7] =	ssyncadd.s32 $0xFFFFF800  }
0x40: {  	_ =	swait.ge [sflag:s7], $0x800  }
0x41: {  	[sflag:s7] =	ssyncset.done $0x0  }
0x42: {  	[sflag:s7] =	ssyncadd.s32 $0xFFFFF800  }
0x43: {  	_ =	swait.ge [sflag:s7], $0x800  }
0x44: {  	[sflag:s7] =	ssyncset.done $0x0  }
0x45: {  	[sflag:s7] =	ssyncadd.s32 $0xFFFFF800  }
0x46: {  	_ =	swait.ge [sflag:s7], $0x800  }
0x47: {  	[sflag:s7] =	ssyncset.done $0x0  }
0x48: {  	[sflag:s7] =	ssyncadd.s32 $0xFFFFF800  }
0x49: {  	_ =	swait.ge [sflag:s7], $0x800  }
0x4a: {  	[sflag:s7] =	ssyncset.done $0x0  }
0x4b: {  	[sflag:s7] =	ssyncadd.s32 $0xFFFFF800  }
0x4c: {  	_ =	swait.ge [sflag:s7], $0x800  }
0x4d: {  	[sflag:s7] =	ssyncset.done $0x0  }
0x4e: {  	[sflag:s7] =	ssyncadd.s32 $0xFFFFF800  }
0x4f: {  	p1 =	sne.s32 s31, $0x1;
	_ =	swait.ge [sflag:s7], $0x800  }
.Ltmp1:
0x50: {  	[sflag:s7] =	ssyncset.done $0x0;
	(pc) =	sbr.rel @!p1 .LBB2_3-.Ltmp1, $4  }
0x51: {  	[sflag:s7] =	ssyncadd.s32 $0xFFFFF800  }
0x52: {  	[hbm4b:s4+s2] =	stream.linear.scatter [tilespmem:s5], [sflag:$0x2], $0x6000, $0x38;
	[tilespmem:$0x6600] =	vst v63  }
0x53: {  	s31 =	sadd.s32 $0xFFFFFFFF, s31;
	_ =	swait.ge [sflag:s3], $0x6000  }
0x54: {  	p0 =	por $0x1, $0x1;
	s1 =	rddreg [dreg:$0x3];
	[sflag:s3] =	ssyncset.done $0x0  }
.LBB2_2:
0x55: {  	[sflag:s3] =	ssyncadd.s32 $0xFFFFA000  }
0x56: {  	[tilespmem:s2], [sflag:$0x2] =	stream.linear.gather [hbm4b:s1+s2], $0x600, $0x38;
	[tilespmem:$0x6600] =	vst v63  }
0x57: {  	_ =	swait.ge [sflag:s3], $0x600  }
0x58: {  	[sflag:s3] =	ssyncset.done $0x0  }
0x59: {  	[sflag:s3] =	ssyncadd.s32 $0xFFFFFA00  }
0x5a: {  	[tilespmem:s5], [sflag:$0x1] =	stream.indirect.gather [hbm4b:s6+s8], $0x10, s2, s8, $0xb8;
	[tilespmem:$0x6600] =	vst v63  }
0x5b: {  	_ = 	snop  }
0x5c: {  	[tilespmem:s9], [sflag:$0x1] =	stream.indirect.gather [hbm4b:s6+s8], $0x10, s8, s8, $0xb8;
	[tilespmem:$0x6600] =	vst v63  }
0x5d: {  	_ = 	snop  }
0x5e: {  	[tilespmem:s11], [sflag:$0x1] =	stream.indirect.gather [hbm4b:s6+s8], $0x10, s10, s8, $0xb8;
	[tilespmem:$0x6600] =	vst v63  }
0x5f: {  	_ = 	snop  }
0x60: {  	[tilespmem:s13], [sflag:$0x1] =	stream.indirect.gather [hbm4b:s6+s8], $0x10, s12, s8, $0xb8;
	[tilespmem:$0x6600] =	vst v63  }
0x61: {  	_ = 	snop  }
0x62: {  	[tilespmem:s15], [sflag:$0x1] =	stream.indirect.gather [hbm4b:s6+s8], $0x10, s14, s8, $0xb8;
	[tilespmem:$0x6600] =	vst v63  }
0x63: {  	_ = 	snop  }
0x64: {  	[tilespmem:s17], [sflag:$0x1] =	stream.indirect.gather [hbm4b:s6+s8], $0x10, s16, s8, $0xb8;
	[tilespmem:$0x6600] =	vst v63  }
0x65: {  	_ = 	snop  }
0x66: {  	[tilespmem:s19], [sflag:$0x1] =	stream.indirect.gather [hbm4b:s6+s8], $0x10, s18, s8, $0xb8;
	[tilespmem:$0x6600] =	vst v63  }
0x67: {  	_ = 	snop  }
0x68: {  	[tilespmem:s21], [sflag:$0x1] =	stream.indirect.gather [hbm4b:s6+s8], $0x10, s20, s8, $0xb8;
	[tilespmem:$0x6600] =	vst v63  }
0x69: {  	_ = 	snop  }
0x6a: {  	[tilespmem:s23], [sflag:$0x1] =	stream.indirect.gather [hbm4b:s6+s8], $0x10, s22, s8, $0xb8;
	[tilespmem:$0x6600] =	vst v63  }
0x6b: {  	_ = 	snop  }
0x6c: {  	[tilespmem:s25], [sflag:$0x1] =	stream.indirect.gather [hbm4b:s6+s8], $0x10, s24, s8, $0xb8;
	[tilespmem:$0x6600] =	vst v63  }
0x6d: {  	_ = 	snop  }
0x6e: {  	[tilespmem:s28], [sflag:$0x1] =	stream.indirect.gather [hbm4b:s6+s8], $0x10, s26, s8, $0xb8;
	[tilespmem:$0x6600] =	vst v63  }
0x6f: {  	_ = 	snop  }
0x70: {  	[tilespmem:s30], [sflag:$0x1] =	stream.indirect.gather [hbm4b:s6+s8], $0x10, s29, s8, $0xb8;
	[tilespmem:$0x6600] =	vst v63  }
0x71: {  	_ =	swait.ge [sflag:s7], $0x800  }
0x72: {  	[sflag:s7] =	ssyncset.done $0x0  }
0x73: {  	[sflag:s7] =	ssyncadd.s32 $0xFFFFF800  }
0x74: {  	_ =	swait.ge [sflag:s7], $0x800  }
0x75: {  	[sflag:s7] =	ssyncset.done $0x0  }
0x76: {  	[sflag:s7] =	ssyncadd.s32 $0xFFFFF800  }
0x77: {  	_ =	swait.ge [sflag:s7], $0x800  }
0x78: {  	[sflag:s7] =	ssyncset.done $0x0  }
0x79: {  	[sflag:s7] =	ssyncadd.s32 $0xFFFFF800  }
0x7a: {  	_ =	swait.ge [sflag:s7], $0x800  }
0x7b: {  	[sflag:s7] =	ssyncset.done $0x0  }
0x7c: {  	[sflag:s7] =	ssyncadd.s32 $0xFFFFF800  }
0x7d: {  	_ =	swait.ge [sflag:s7], $0x800  }
0x7e: {  	[sflag:s7] =	ssyncset.done $0x0  }
0x7f: {  	[sflag:s7] =	ssyncadd.s32 $0xFFFFF800  }
0x80: {  	_ =	swait.ge [sflag:s7], $0x800  }
0x81: {  	[sflag:s7] =	ssyncset.done $0x0  }
0x82: {  	[sflag:s7] =	ssyncadd.s32 $0xFFFFF800  }
0x83: {  	_ =	swait.ge [sflag:s7], $0x800  }
0x84: {  	[sflag:s7] =	ssyncset.done $0x0  }
0x85: {  	[sflag:s7] =	ssyncadd.s32 $0xFFFFF800  }
0x86: {  	_ =	swait.ge [sflag:s7], $0x800  }
0x87: {  	[sflag:s7] =	ssyncset.done $0x0  }
0x88: {  	[sflag:s7] =	ssyncadd.s32 $0xFFFFF800  }
0x89: {  	_ =	swait.ge [sflag:s7], $0x800  }
0x8a: {  	[sflag:s7] =	ssyncset.done $0x0  }
0x8b: {  	[sflag:s7] =	ssyncadd.s32 $0xFFFFF800  }
0x8c: {  	_ =	swait.ge [sflag:s7], $0x800  }
0x8d: {  	[sflag:s7] =	ssyncset.done $0x0  }
0x8e: {  	[sflag:s7] =	ssyncadd.s32 $0xFFFFF800  }
0x8f: {  	_ =	swait.ge [sflag:s7], $0x800  }
0x90: {  	[sflag:s7] =	ssyncset.done $0x0  }
0x91: {  	[sflag:s7] =	ssyncadd.s32 $0xFFFFF800  }
0x92: {  	p1 =	sne.s32 s31, $0x1;
	_ =	swait.ge [sflag:s7], $0x800  }
.Ltmp2:
0x93: {  	[sflag:s7] =	ssyncset.done $0x0;
	(pc) =	sbr.rel @p1 .LBB2_2-.Ltmp2, $4  }
0x94: {  	[sflag:s7] =	ssyncadd.s32 $0xFFFFF800  }
0x95: {  	[hbm4b:s4+s2] =	stream.linear.scatter [tilespmem:s5], [sflag:$0x2], $0x6000, $0x38;
	[tilespmem:$0x6600] =	vst v63  }
0x96: {  	_ =	swait.ge [sflag:s3], $0x6000  }
0x97: {  	s31 =	sadd.s32 $0xFFFFFFFF, s31;
	s1 =	rddreg [dreg:$0x3];
	[sflag:s3] =	ssyncset.done $0x0  }
.LBB2_3:
0x98: {  	[sflag:s3] =	ssyncadd.s32 @p0 $0xFFFFA000  }
0x99: {  	[tilespmem:s2], [sflag:$0x2] =	stream.linear.gather [hbm4b:s1+s2], $0x600, $0x38;
	[tilespmem:$0x6600] =	vst v63  }
0x9a: {  	_ =	swait.ge [sflag:s3], $0x600  }
0x9b: {  	[sflag:s3] =	ssyncset.done $0x0  }
0x9c: {  	[sflag:s3] =	ssyncadd.s32 $0xFFFFFA00  }
0x9d: {  	[tilespmem:s5], [sflag:$0x1] =	stream.indirect.gather [hbm4b:s6+s8], $0x10, s2, s8, $0xb8;
	[tilespmem:$0x6600] =	vst v63  }
0x9e: {  	_ = 	snop  }
0x9f: {  	[tilespmem:s9], [sflag:$0x1] =	stream.indirect.gather [hbm4b:s6+s8], $0x10, s8, s8, $0xb8;
	[tilespmem:$0x6600] =	vst v63  }
0xa0: {  	_ = 	snop  }
0xa1: {  	[tilespmem:s11], [sflag:$0x1] =	stream.indirect.gather [hbm4b:s6+s8], $0x10, s10, s8, $0xb8;
	[tilespmem:$0x6600] =	vst v63  }
0xa2: {  	_ = 	snop  }
0xa3: {  	[tilespmem:s13], [sflag:$0x1] =	stream.indirect.gather [hbm4b:s6+s8], $0x10, s12, s8, $0xb8;
	[tilespmem:$0x6600] =	vst v63  }
0xa4: {  	_ = 	snop  }
0xa5: {  	[tilespmem:s15], [sflag:$0x1] =	stream.indirect.gather [hbm4b:s6+s8], $0x10, s14, s8, $0xb8;
	[tilespmem:$0x6600] =	vst v63  }
0xa6: {  	_ = 	snop  }
0xa7: {  	[tilespmem:s17], [sflag:$0x1] =	stream.indirect.gather [hbm4b:s6+s8], $0x10, s16, s8, $0xb8;
	[tilespmem:$0x6600] =	vst v63  }
0xa8: {  	_ = 	snop  }
0xa9: {  	[tilespmem:s19], [sflag:$0x1] =	stream.indirect.gather [hbm4b:s6+s8], $0x10, s18, s8, $0xb8;
	[tilespmem:$0x6600] =	vst v63  }
0xaa: {  	_ = 	snop  }
0xab: {  	[tilespmem:s21], [sflag:$0x1] =	stream.indirect.gather [hbm4b:s6+s8], $0x10, s20, s8, $0xb8;
	[tilespmem:$0x6600] =	vst v63  }
0xac: {  	_ = 	snop  }
0xad: {  	[tilespmem:s23], [sflag:$0x1] =	stream.indirect.gather [hbm4b:s6+s8], $0x10, s22, s8, $0xb8;
	[tilespmem:$0x6600] =	vst v63  }
0xae: {  	_ = 	snop  }
0xaf: {  	[tilespmem:s25], [sflag:$0x1] =	stream.indirect.gather [hbm4b:s6+s8], $0x10, s24, s8, $0xb8;
	[tilespmem:$0x6600] =	vst v63  }
0xb0: {  	_ = 	snop  }
0xb1: {  	[tilespmem:s28], [sflag:$0x1] =	stream.indirect.gather [hbm4b:s6+s8], $0x10, s26, s8, $0xb8;
	[tilespmem:$0x6600] =	vst v63  }
0xb2: {  	_ = 	snop  }
0xb3: {  	[tilespmem:s30], [sflag:$0x1] =	stream.indirect.gather [hbm4b:s6+s8], $0x10, s29, s8, $0xb8;
	[tilespmem:$0x6600] =	vst v63  }
0xb4: {  	_ =	swait.ge [sflag:s7], $0x800  }
0xb5: {  	[sflag:s7] =	ssyncset.done $0x0  }
0xb6: {  	[sflag:s7] =	ssyncadd.s32 $0xFFFFF800  }
0xb7: {  	_ =	swait.ge [sflag:s7], $0x800  }
0xb8: {  	[sflag:s7] =	ssyncset.done $0x0  }
0xb9: {  	[sflag:s7] =	ssyncadd.s32 $0xFFFFF800  }
0xba: {  	_ =	swait.ge [sflag:s7], $0x800  }
0xbb: {  	[sflag:s7] =	ssyncset.done $0x0  }
0xbc: {  	[sflag:s7] =	ssyncadd.s32 $0xFFFFF800  }
0xbd: {  	_ =	swait.ge [sflag:s7], $0x800  }
0xbe: {  	[sflag:s7] =	ssyncset.done $0x0  }
0xbf: {  	[sflag:s7] =	ssyncadd.s32 $0xFFFFF800  }
0xc0: {  	_ =	swait.ge [sflag:s7], $0x800  }
0xc1: {  	[sflag:s7] =	ssyncset.done $0x0  }
0xc2: {  	[sflag:s7] =	ssyncadd.s32 $0xFFFFF800  }
0xc3: {  	_ =	swait.ge [sflag:s7], $0x800  }
0xc4: {  	[sflag:s7] =	ssyncset.done $0x0  }
0xc5: {  	[sflag:s7] =	ssyncadd.s32 $0xFFFFF800  }
0xc6: {  	_ =	swait.ge [sflag:s7], $0x800  }
0xc7: {  	[sflag:s7] =	ssyncset.done $0x0  }
0xc8: {  	[sflag:s7] =	ssyncadd.s32 $0xFFFFF800  }
0xc9: {  	_ =	swait.ge [sflag:s7], $0x800  }
0xca: {  	[sflag:s7] =	ssyncset.done $0x0  }
0xcb: {  	[sflag:s7] =	ssyncadd.s32 $0xFFFFF800  }
0xcc: {  	_ =	swait.ge [sflag:s7], $0x800  }
0xcd: {  	[sflag:s7] =	ssyncset.done $0x0  }
0xce: {  	[sflag:s7] =	ssyncadd.s32 $0xFFFFF800  }
0xcf: {  	_ =	swait.ge [sflag:s7], $0x800  }
0xd0: {  	[sflag:s7] =	ssyncset.done $0x0  }
0xd1: {  	[sflag:s7] =	ssyncadd.s32 $0xFFFFF800  }
0xd2: {  	_ =	swait.ge [sflag:s7], $0x800  }
0xd3: {  	[sflag:s7] =	ssyncset.done $0x0  }
0xd4: {  	[sflag:s7] =	ssyncadd.s32 $0xFFFFF800  }
0xd5: {  	_ =	swait.ge [sflag:s7], $0x800  }
0xd6: {  	[sflag:s7] =	ssyncset.done $0x0  }
0xd7: {  	[sflag:s7] =	ssyncadd.s32 $0xFFFFF800  }
0xd8: {  	[hbm4b:s4+s2] =	stream.linear.scatter [tilespmem:s5], [sflag:$0x2], $0x6000, $0x38;
	[tilespmem:$0x6600] =	vst v63  }
0xd9: {  	_ =	swait.ge [sflag:s3], $0x6000  }
0xda: {  	[sflag:s3] =	ssyncset.done $0x0  }
0xdb: {  	[sflag:s3] =	ssyncadd.s32 $0xFFFFA000  }
0xdc: {  	_ =	sfence.sel $0x180000  }
0xdd: {  	[bflag:$0x0] =	sbarrier.arrive $0xFFFF  }
0xde: {  	_ =	strace $0x90000047  }
0xdf: {  	[bflag:$0x2] =	sbarrier.arrive $0xFFFF  }
0xe0: {  	p0 =	sne.s32 s0, $0x0;
	s0 =	rddreg [dreg:$0x2]  }
0xe1: {  	s0 =	sadd.s32 @!p0 $0x100000, s0  }
0xe2: {  	[sflag:s0] =	ssyncadd.tile.s32 @!p0 $0x1;
	_ =	shalt  }
.Lfunc_end2:
_tile_overlayer_lowered:
.L_overlay_start_2:
0xe3: {  	(tag) =	ssettag $0x2  }
0xe4: {  	s0 =	rddreg [dreg:$0x0];
	s2 =	stileid.u32  }
0xe5: {  	s1 =	rddreg [dreg:$0x1];
	p0 =	sne.s32 s2, $0x0  }
0xe6: {  	s3 =	rddreg [dreg:$0x2];
	[bflag:$0x3] =	sbarrier.arrive $0xFFFF;
	s2 =	simm.s32 @!p0 $0x1C02  }
0xe7: {  	[timem:s3], [sflag:s2] =	dma.local @!p0 [hbm:s0], s1  }
0xe8: {  	s0 =	simm.s32 @!p0 $0x2  }
0xe9: {  	_ =	swait.ge @!p0 [sflag:s0], s1  }
0xea: {  	s1 =	ssub.s32 @!p0 $0x0, s1;
	[sflag:s0] =	ssyncset.done @!p0 $0x0  }
0xeb: {  	[sflag:s0] =	ssyncadd.s32 @!p0 s1  }
0xec: {  	[bflag:$0x3] =	sbarrier.arrive $0xFFFF  }
0xed: {  	_ =	shalt  }

// kernel: kernel.9.cloned.1.call-start
scs
__scs_entry_jumppad:
0x0: {  	(pc) =	sbr.rel $0x88, $3  }
0x1: {  	(tag) =	ssettag $0x0;
	lr =	simm.s32 $0x1  }
0x2: {  	[smem:$0x3F9F] =	sst lr;
	_ =	strace $0xD0000000  }
0x3: {  	_ = 	snop  }
0x4: {  	_ = 	snop  }
0x5: {  	_ = 	snop  }
0x6: {  	_ = 	snop  }
0x7: {  	_ = 	snop  }
__scs_overlays_trampoline_lowered:
0x8: {  	[smem:$0x3FAE] =	sst s0  }
0x9: {  	[smem:$0x3FAF] =	sst s1  }
0xa: {  	[smem:$0x3FB0] =	sst s2  }
0xb: {  	[smem:$0x3FB1] =	sst s3  }
0xc: {  	[smem:$0x3FB2] =	sst s4  }
0xd: {  	[smem:$0x3FB3] =	sst s5  }
0xe: {  	[smem:$0x3FB4] =	sst s6  }
0xf: {  	[smem:$0x3FB5] =	sst s7  }
0x10: {  	[smem:$0x3FB6] =	sst s8  }
0x11: {  	[smem:$0x3FB7] =	sst s9;
	s0 =	simm.s32 @!p0 $0x0  }
0x12: {  	s1 =	sld [smem:$0x3F9D];
	s0 =	simm.s32 @p0 $0x1  }
0x13: {  	[smem:$0x3FB8] =	sst s0;
	s0 =	simm.s32 @!p1 $0x0  }
0x14: {  	s2 =	sld [smem:$0x3F9C];
	s0 =	simm.s32 @p1 $0x1  }
0x15: {  	[smem:$0x3FB9] =	sst s0;
	s0 =	simm.s32 @!p2 $0x0  }
0x16: {  	s3 =	sld [smem:$0x3FDB];
	s0 =	simm.s32 @p2 $0x1  }
0x17: {  	s4 =	simm.s32 $0x1BF5;
	[smem:$0x3FBB] =	sst s0  }
0x18: {  	s0 =	sld [smem:$0x3F9E];
	_ =	swait.ge [sflag:s4], $0x0  }
0x19: {  	s7 =	sld [smem:$0x3F9F]  }
0x1a: {  	s8 =	sadd.s32 $0xFFFFE003, lr  }
0x1b: {  	s9 =	sadd.s32 $0xFFFFFEF7, lr;
	s5 =	simm.s32 $0xFFFFFFFF;
	p2 =	slt.u32 s8, $0xFFFFF086  }
0x1c: {  	p1 =	slt.u32 s9, $0xF7A;
	s5 =	simm.s32 @!p2 $0x0  }
0x1d: {  	s5 =	simm.s32 @p1 $0x1;
	p0 =	seq.s32 s7, s2  }
0x1e: {  	s7 =	smul.u32 @!p0 $0xF7A, s2;
	p2 =	seq.s32 @!p0 s5, $0x0  }
0x1f: {  	s9 =	smul.u32 $0xF7A, s1;
	s8 =	simm.s32 @!p0 $0x1BF5;
	p2 =	por !p2, p0  }
0x20: {  	[sflag:s8] =	ssyncset.s32 @!p0 $0xFFFFF086;
	s6 =	sadd.s32 @!p0 s3, s7;
	s7 =	simm.s32 @!p0 $0x108  }
0x21: {  	s3 =	sadd.s32 s3, s9;
	s6 =	sadd.s32 @!p0 $0x88, s6;
	s7 =	simm.s32 @p2 $0x1082  }
0x22: {  	[simem:s7], [sflag:s8] =	dma.local @!p0 [hbm:s6], $0xF7A  }
0x23: {  	s9 =	sor.u32 $0xD0000000, s2;
	s6 =	simm.s32 $0x108;
	_ =	swait.ge @!p0 [sflag:s8], $0x0  }
0x24: {  	s3 =	sadd.s32 $0x88, s3;
	s6 =	simm.s32 @!p1 $0x1082;
	[sflag:s4] =	ssyncset.s32 $0xFFFFF086  }
0x25: {  	[simem:s6], [sflag:s4] =	dma.local [hbm:s3], $0xF7A  }
0x26: {  	[smem:$0x3F9F] =	sst s1;
	(tag) =	ssettag s2;
	_ =	strace s9  }
0x27: {  	s1 =	sld [smem:$0x3FAF]  }
0x28: {  	s2 =	sld [smem:$0x3FB0]  }
0x29: {  	s4 =	sld [smem:$0x3FB2]  }
0x2a: {  	p0 =	seq.s32 s5, $0x0;
	s5 =	sld [smem:$0x3FB3]  }
0x2b: {  	s6 =	sld [smem:$0x3FB4]  }
0x2c: {  	s7 =	sld [smem:$0x3FB5]  }
0x2d: {  	s3 =	simm.s32 $0x108;
	s8 =	sld [smem:$0x3FB6]  }
0x2e: {  	s3 =	simm.s32 @!p0 $0x1082;
	s9 =	sld [smem:$0x3FB7]  }
0x2f: {  	lr =	sadd.s32 s0, s3;
	s0 =	sld [smem:$0x3FAE]  }
0x30: {  	s3 =	sld [smem:$0x3FB1]  }
0x31: {  	[smem:$0x3FBA] =	sst s10  }
0x32: {  	s10 =	sld [smem:$0x3FB8];
	_ =	sdelay $0x3  }
0x33: {  	p0 =	seq.s32 s10, $0x1;
	s10 =	sld [smem:$0x3FBA];
	_ =	sdelay $0x3  }
0x34: {  	[smem:$0x3FBA] =	sst s10  }
0x35: {  	s10 =	sld [smem:$0x3FB9];
	_ =	sdelay $0x3  }
0x36: {  	p1 =	seq.s32 s10, $0x1;
	s10 =	sld [smem:$0x3FBA];
	_ =	sdelay $0x3  }
0x37: {  	[smem:$0x3FBA] =	sst s10  }
0x38: {  	s10 =	sld [smem:$0x3FBB]  }
0x39: {  	_ = 	snop;
	(pc) =	sbr.ind lr, $3  }
0x3a: {  	_ = 	snop  }
0x3b: {  	_ = 	snop  }
0x3c: {  	p2 =	seq.s32 s10, $0x1;
	s10 =	sld [smem:$0x3FBA]  }
0x3d: {  	_ =	shalt  }
0x3e: {  	_ =	shalt  }
0x3f: {  	_ =	shalt  }
0x40: {  	_ =	shalt  }
0x41: {  	_ =	shalt  }
0x42: {  	_ =	shalt  }
0x43: {  	_ =	shalt  }
0x44: {  	_ =	shalt  }
0x45: {  	_ =	shalt  }
0x46: {  	_ =	shalt  }
0x47: {  	_ =	shalt  }
0x48: {  	_ =	shalt  }
0x49: {  	_ =	shalt  }
0x4a: {  	_ =	shalt  }
0x4b: {  	_ =	shalt  }
0x4c: {  	_ =	shalt  }
0x4d: {  	_ =	shalt  }
0x4e: {  	_ =	shalt  }
0x4f: {  	_ =	shalt  }
0x50: {  	_ =	shalt  }
0x51: {  	_ =	shalt  }
0x52: {  	_ =	shalt  }
0x53: {  	_ =	shalt  }
0x54: {  	_ =	shalt  }
0x55: {  	_ =	shalt  }
0x56: {  	_ =	shalt  }
0x57: {  	_ =	shalt  }
0x58: {  	_ =	shalt  }
0x59: {  	_ =	shalt  }
0x5a: {  	_ =	shalt  }
0x5b: {  	_ =	shalt  }
0x5c: {  	_ =	shalt  }
0x5d: {  	_ =	shalt  }
0x5e: {  	_ =	shalt  }
0x5f: {  	_ =	shalt  }
0x60: {  	_ =	shalt  }
0x61: {  	_ =	shalt  }
0x62: {  	_ =	shalt  }
0x63: {  	_ =	shalt  }
0x64: {  	_ =	shalt  }
0x65: {  	_ =	shalt  }
0x66: {  	_ =	shalt  }
0x67: {  	_ =	shalt  }
0x68: {  	_ =	shalt  }
0x69: {  	_ =	shalt  }
0x6a: {  	_ =	shalt  }
0x6b: {  	_ =	shalt  }
0x6c: {  	_ =	shalt  }
0x6d: {  	_ =	shalt  }
0x6e: {  	_ =	shalt  }
0x6f: {  	_ =	shalt  }
0x70: {  	_ =	shalt  }
0x71: {  	_ =	shalt  }
0x72: {  	_ =	shalt  }
0x73: {  	_ =	shalt  }
0x74: {  	_ =	shalt  }
0x75: {  	_ =	shalt  }
0x76: {  	_ =	shalt  }
0x77: {  	_ =	shalt  }
0x78: {  	_ =	shalt  }
0x79: {  	_ =	shalt  }
0x7a: {  	_ =	shalt  }
0x7b: {  	_ =	shalt  }
0x7c: {  	_ =	shalt  }
0x7d: {  	_ =	shalt  }
0x7e: {  	_ =	shalt  }
0x7f: {  	_ =	shalt  }
0x80: {  	_ =	shalt  }
0x81: {  	_ =	shalt  }
0x82: {  	_ =	shalt  }
0x83: {  	_ =	shalt  }
0x84: {  	_ =	shalt  }
0x85: {  	_ =	shalt  }
0x86: {  	_ =	shalt  }
0x87: {  	_ =	shalt  }
.Lfunc_end0:
.L_simem_size_0:
called_computation.1_lowered:
.L_overlay_start_0:
0x88: {  	s2 =	sld [smem:$0x3FD9]  }
0x89: {  	s3 =	sld [smem:$0x3FFE];
	_ =	sdelay $0x1  }
0x8a: {  	s1 =	srdreg.scid  }
0x8b: {  	s0 =	sand.u32 $0x1, s1  }
0x8c: {  	s15 =	sshll.u32 s0, $0xA;
	s2 =	sadd.s32 s3, s2  }
0x8d: {  	s2 =	sadd.s32 s2, s15  }
0x8e: {  	[smem:$0x3FC6] =	sst s2  }
0x8f: {  	_ = 	snop  }
0x90: {  	s2 =	sld [smem:$0x3FD0];
	_ =	sdelay $0x2  }
0x91: {  	s16 =	simm.s32 $0xB;
	s4 =	simm.s32 $0x10  }
0x92: {  	[smem:s4], [sflag:s16] =	dma.local [hbm:s2], $0x1  }
0x93: {  	_ =	swait.eq [sflag:s16], $0x1  }
0x94: {  	[sflag:s16] =	ssyncset.done $0x0  }
0x95: {  	[sflag:s16] =	ssyncadd.s32 $0xFFFFFFFF  }
0x96: {  	s17 =	sld [smem:$0x10];
	(tm) =	ssettm $0x1  }
0x97: {  	s18 =	sld [smem:$0x3FFB];
	_ =	sdelay $0x3  }
0x98: {  	_ =	strace s18  }
0x99: {  	s2 =	sld [smem:$0x3FFC];
	_ =	sdelay $0x3  }
0x9a: {  	_ =	strace s2  }
0x9b: {  	s2 =	sld [smem:$0x3FFD];
	_ =	sdelay $0x3  }
0x9c: {  	_ =	strace s2  }
0x9d: {  	_ =	strace $0x8FFFFFFF  }
0x9e: {  	s19 =	sld [smem:$0x3FDB];
	_ =	sdelay $0x1  }
0x9f: {  	s20 =	simm.s32 $_scs_section_size  }
0xa0: {  	s5 =	simm.s32 $_size__tile_overlayer_lowered;
	s6 =	simm.s32 $_tile_overlayer_lowered  }
0xa1: {  	s7 =	simm.s32 $0x1BFF;
	s21 =	sshll.u32 s6, $0x1;
	s4 =	sadd.s32 s20, s19  }
0xa2: {  	s22 =	simm.s32 $0x0;
	s5 =	sshll.u32 s5, $0x1;
	s6 =	sadd.s32 s21, s4  }
0xa3: {  	[timem:s22], [sflag:s7] =	dma.local [hbm:s6], s5  }
0xa4: {  	_ =	swait.ge [sflag:s7], s5  }
0xa5: {  	s5 =	ssub.s32 $0x0, s5;
	[sflag:s7] =	ssyncset.done $0x0  }
0xa6: {  	[sflag:s7] =	ssyncadd.s32 s5;
	_ =	sdelay $0x1  }
0xa7: {  	s23 =	simm.s32 $0x1B8B  }
0xa8: {  	_ =	swait.ge [sflag:s23], $0x1  }
0xa9: {  	[sflag:s23] =	ssyncset.done $0x0  }
0xaa: {  	[sflag:s23] =	ssyncadd.s32 $0xFFFFFFFF  }
0xab: {  	s5 =	sld [smem:$0x0]  }
0xac: {  	s6 =	sand.u32 $0xFFFFFFFE, s1  }
0xad: {  	p0 =	sne.s32 s1, s6  }
0xae: {  	s6 =	sshll.u32 @p0 s6, $0xE  }
0xaf: {  	s6 =	sadd.s32 @p0 $0x11B8D, s6;
	s7 =	sshll.u32 @p0 s5, $0x11  }
0xb0: {  	s6 =	sor.u32 @p0 s7, s6  }
0xb1: {  	[sflag:s6] =	ssyncadd.remote.s32 @p0 $0x1;
	_ =	sdelay $0x1  }
0xb2: {  	s6 =	simm.s32 @p0 $0x1B8D  }
0xb3: {  	_ =	swait.eq @p0 [sflag:s6], $0x1  }
0xb4: {  	[sflag:s6] =	ssyncadd.s32 @p0 $0xFFFFFFFF  }
0xb5: {  	s7 =	sshll.u32 @!p0 s1, $0xE  }
0xb6: {  	s7 =	sor.u32 @!p0 $0x4000, s7;
	s6 =	simm.s32 @!p0 $0x1B8D  }
0xb7: {  	s5 =	sshll.u32 @!p0 s5, $0x11;
	s7 =	sadd.s32 @!p0 $0x11B8D, s7;
	_ =	swait.eq @!p0 [sflag:s6], $0x1  }
0xb8: {  	s5 =	sor.u32 @!p0 s5, s7;
	[sflag:s6] =	ssyncadd.s32 @!p0 $0xFFFFFFFF  }
0xb9: {  	s25 =	simm.s32 $0x1B8E;
	s24 =	sld [smem:$0x3FFE];
	[sflag:s5] =	ssyncadd.remote.s32 @!p0 $0x1  }
0xba: {  	s26 =	simm.s32 $execute0_lowered;
	[smem:$0x3FD2] =	sst s25  }
0xbb: {  	s6 =	sshll.u32 s26, $0x1;
	_ =	strace $0x80000049;
	[dreg:$0x1] =	wrdreg $0xFFFFFFFF  }
0xbc: {  	s28 =	simm.s32 $_size_execute0_lowered;
	s4 =	sadd.s32 s4, s6;
	[dreg:$0x0] =	wrdreg $0x0  }
0xbd: {  	s6 =	sshll.u32 s28, $0x1;
	[dreg:$0x2] =	wrdreg s4  }
0xbe: {  	[dreg:$0x3] =	wrdreg s6  }
0xbf: {  	[dreg:$0x4] =	wrdreg $0xC0  }
0xc0: {  	_ =	task [dreg:s22], $0x5FFFF  }
0xc1: {  	[dreg:$0x1] =	wrdreg $0xFFFFFFFF  }
0xc2: {  	[dreg:$0x0] =	wrdreg $0x60  }
0xc3: {  	[dreg:$0x2] =	wrdreg s17  }
0xc4: {  	[dreg:$0x3] =	wrdreg s24  }
0xc5: {  	[dreg:$0x4] =	wrdreg $0xA  }
0xc6: {  	_ =	task.clear_ibuf [dreg:s22], $0x5FFFF;
	_ =	strace $0x90000049  }
0xc7: {  	s29 =	simm.s32 $0xA;
	_ =	strace $0x8000004B  }
0xc8: {  	_ =	swait.ge [sflag:s29], $0x1  }
0xc9: {  	[sflag:s29] =	ssyncadd.s32 $0xFFFFFFFF  }
0xca: {  	_ =	strace $0x9000004B  }
0xcb: {  	_ =	sfence  }
0xcc: {  	s30 =	sld [smem:$0x0];
	_ =	sdelay $0x2  }
0xcd: {  	s31 =	sshll.u32 s1, $0xD;
	s1 =	sshrl.u32 s1, $0x2  }
0xce: {  	s4 =	sand.u32 $0x4000, s31;
	s1 =	sadd.s32 s1, s30  }
0xcf: {  	s0 =	sor.u32 s4, s0;
	s1 =	sshll.u32 s1, $0x11  }
0xd0: {  	s0 =	sor.u32 s1, s0  }
0xd1: {  	s0 =	sadd.s32 $0x8F2B, s0  }
0xd2: {  	[sflag:s0] =	ssyncadd.remote.s32 $0x1  }
0xd3: {  	_ =	sfence.sel $0xFFFF  }
0xd4: {  	[dreg:$0x0] =	wrdreg $0xFFFFFFFF;
	(pc) =	sbr.abs _section_cstart, $3  }
0xd5: {  	[dreg:$0x1] =	wrdreg $0xFFFFFFFF  }
0xd6: {  	_ =	task.clear_ibuf [dreg:s22], $0x2FFFF;
	_ =	strace $0x9FFFFFFF  }
0xd7: {  	(tm) =	ssettm $0x7FFFFFFF  }
tec
execute0_lowered:
.L_overlay_start_1:
0x0: {  	(tag) =	ssettag $0x1  }
0x1: {  	s1 =	srdreg.scid  }
0x2: {  	s0 =	stileid.u32;
	s6 =	rddreg [dreg:$0x0]  }
0x3: {  	s3 =	rddreg [dreg:$0x1];
	s8 =	simm.s32 $0x80;
	s9 =	simm.s32 $0xE00  }
0x4: {  	s10 =	simm.s32 $0x100;
	s11 =	simm.s32 $0x1600;
	s12 =	simm.s32 $0x180  }
0x5: {  	s13 =	simm.s32 $0x1E00;
	s14 =	simm.s32 $0x200;
	s15 =	simm.s32 $0x2600  }
0x6: {  	s16 =	simm.s32 $0x280;
	s17 =	simm.s32 $0x2E00;
	s18 =	simm.s32 $0x300  }
0x7: {  	s19 =	simm.s32 $0x3600;
	s20 =	simm.s32 $0x380;
	s21 =	simm.s32 $0x3E00  }
0x8: {  	s22 =	simm.s32 $0x400;
	s1 =	sand.u32 $0x1, s1;
	s2 =	sshll.u32 s0, $0x1  }
0x9: {  	s23 =	simm.s32 $0x4600;
	s4 =	sor.u32 s1, s2;
	s1 =	ssub.s32 $0x2, s1  }
0xa: {  	s24 =	simm.s32 $0x480;
	s25 =	simm.s32 $0x4E00;
	s26 =	sshrl.u32 s1, $0x1  }
0xb: {  	p0 =	por $0x0, $0x0;
	s28 =	simm.s32 $0x5600;
	s1 =	ssub.s32 s1, s26  }
0xc: {  	s29 =	simm.s32 $0x580;
	s5 =	smul.u32 $0xC0, s4;
	s1 =	smax.u32 s1, $0x1  }
0xd: {  	s2 =	simm.s32 $0x0;
	s4 =	smul.u32 $0xC00, s4;
	p1 =	sne.s32 s1, $0x1  }
.Ltmp0:
0xe: {  	s30 =	simm.s32 $0x5E00;
	[smem:$0x7FF] =	sst s2;
	(pc) =	sbr.rel @!p1 .LBB2_3-.Ltmp0, $4  }
0xf: {  	s7 =	simm.s32 $0x1;
	_ =	strace $0x8000004A;
	s5 =	sadd.s32 s5, s3  }
0x10: {  	s26 =	simm.s32 $0x500;
	s3 =	sadd.s32 s4, s3;
	s5 =	sadd.s32 $0x1A600, s5  }
0x11: {  	s4 =	sadd.s32 $0x1BE00, s3;
	s3 =	simm.s32 $0x2;
	[dreg:$0x3] =	wrdreg s5  }
0x12: {  	s31 =	sadd.s32 $0xFFFFFFFF, s1;
	s5 =	simm.s32 $0x600;
	s1 =	rddreg [dreg:$0x3]  }
0x13: {  	[tilespmem:s2], [sflag:$0x2] =	stream.linear.gather [hbm4b:s1+s2], $0x600, $0x38;
	[tilespmem:$0x6600] =	vst v63  }
0x14: {  	_ =	swait.ge [sflag:s3], $0x600  }
0x15: {  	[sflag:s3] =	ssyncset.done $0x0  }
0x16: {  	[sflag:s3] =	ssyncadd.s32 $0xFFFFFA00  }
0x17: {  	[tilespmem:s5], [sflag:$0x1] =	stream.indirect.gather [hbm4b:s6+s8], $0x10, s2, s8, $0xb8;
	[tilespmem:$0x6600] =	vst v63  }
0x18: {  	_ = 	snop  }
0x19: {  	[tilespmem:s9], [sflag:$0x1] =	stream.indirect.gather [hbm4b:s6+s8], $0x10, s8, s8, $0xb8;
	[tilespmem:$0x6600] =	vst v63  }
0x1a: {  	_ = 	snop  }
0x1b: {  	[tilespmem:s11], [sflag:$0x1] =	stream.indirect.gather [hbm4b:s6+s8], $0x10, s10, s8, $0xb8;
	[tilespmem:$0x6600] =	vst v63  }
0x1c: {  	_ = 	snop  }
0x1d: {  	[tilespmem:s13], [sflag:$0x1] =	stream.indirect.gather [hbm4b:s6+s8], $0x10, s12, s8, $0xb8;
	[tilespmem:$0x6600] =	vst v63  }
0x1e: {  	_ = 	snop  }
0x1f: {  	[tilespmem:s15], [sflag:$0x1] =	stream.indirect.gather [hbm4b:s6+s8], $0x10, s14, s8, $0xb8;
	[tilespmem:$0x6600] =	vst v63  }
0x20: {  	_ = 	snop  }
0x21: {  	[tilespmem:s17], [sflag:$0x1] =	stream.indirect.gather [hbm4b:s6+s8], $0x10, s16, s8, $0xb8;
	[tilespmem:$0x6600] =	vst v63  }
0x22: {  	_ = 	snop  }
0x23: {  	[tilespmem:s19], [sflag:$0x1] =	stream.indirect.gather [hbm4b:s6+s8], $0x10, s18, s8, $0xb8;
	[tilespmem:$0x6600] =	vst v63  }
0x24: {  	_ = 	snop  }
0x25: {  	[tilespmem:s21], [sflag:$0x1] =	stream.indirect.gather [hbm4b:s6+s8], $0x10, s20, s8, $0xb8;
	[tilespmem:$0x6600] =	vst v63  }
0x26: {  	_ = 	snop  }
0x27: {  	[tilespmem:s23], [sflag:$0x1] =	stream.indirect.gather [hbm4b:s6+s8], $0x10, s22, s8, $0xb8;
	[tilespmem:$0x6600] =	vst v63  }
0x28: {  	_ = 	snop  }
0x29: {  	[tilespmem:s25], [sflag:$0x1] =	stream.indirect.gather [hbm4b:s6+s8], $0x10, s24, s8, $0xb8;
	[tilespmem:$0x6600] =	vst v63  }
0x2a: {  	_ = 	snop  }
0x2b: {  	[tilespmem:s28], [sflag:$0x1] =	stream.indirect.gather [hbm4b:s6+s8], $0x10, s26, s8, $0xb8;
	[tilespmem:$0x6600] =	vst v63  }
0x2c: {  	_ = 	snop  }
0x2d: {  	[tilespmem:s30], [sflag:$0x1] =	stream.indirect.gather [hbm4b:s6+s8], $0x10, s29, s8, $0xb8;
	[tilespmem:$0x6600] =	vst v63  }
0x2e: {  	_ =	swait.ge [sflag:s7], $0x800  }
0x2f: {  	[sflag:s7] =	ssyncset.done $0x0  }
0x30: {  	[sflag:s7] =	ssyncadd.s32 $0xFFFFF800  }
0x31: {  	_ =	swait.ge [sflag:s7], $0x800  }
0x32: {  	[sflag:s7] =	ssyncset.done $0x0  }
0x33: {  	[sflag:s7] =	ssyncadd.s32 $0xFFFFF800  }
0x34: {  	_ =	swait.ge [sflag:s7], $0x800  }
0x35: {  	[sflag:s7] =	ssyncset.done $0x0  }
0x36: {  	[sflag:s7] =	ssyncadd.s32 $0xFFFFF800  }
0x37: {  	_ =	swait.ge [sflag:s7], $0x800  }
0x38: {  	[sflag:s7] =	ssyncset.done $0x0  }
0x39: {  	[sflag:s7] =	ssyncadd.s32 $0xFFFFF800  }
0x3a: {  	_ =	swait.ge [sflag:s7], $0x800  }
0x3b: {  	[sflag:s7] =	ssyncset.done $0x0  }
0x3c: {  	[sflag:s7] =	ssyncadd.s32 $0xFFFFF800  }
0x3d: {  	_ =	swait.ge [sflag:s7], $0x800  }
0x3e: {  	[sflag:s7] =	ssyncset.done $0x0  }
0x3f: {  	[sflag:s7] =	ssyncadd.s32 $0xFFFFF800  }
0x40: {  	_ =	swait.ge [sflag:s7], $0x800  }
0x41: {  	[sflag:s7] =	ssyncset.done $0x0  }
0x42: {  	[sflag:s7] =	ssyncadd.s32 $0xFFFFF800  }
0x43: {  	_ =	swait.ge [sflag:s7], $0x800  }
0x44: {  	[sflag:s7] =	ssyncset.done $0x0  }
0x45: {  	[sflag:s7] =	ssyncadd.s32 $0xFFFFF800  }
0x46: {  	_ =	swait.ge [sflag:s7], $0x800  }
0x47: {  	[sflag:s7] =	ssyncset.done $0x0  }
0x48: {  	[sflag:s7] =	ssyncadd.s32 $0xFFFFF800  }
0x49: {  	_ =	swait.ge [sflag:s7], $0x800  }
0x4a: {  	[sflag:s7] =	ssyncset.done $0x0  }
0x4b: {  	[sflag:s7] =	ssyncadd.s32 $0xFFFFF800  }
0x4c: {  	_ =	swait.ge [sflag:s7], $0x800  }
0x4d: {  	[sflag:s7] =	ssyncset.done $0x0  }
0x4e: {  	[sflag:s7] =	ssyncadd.s32 $0xFFFFF800  }
0x4f: {  	p1 =	sne.s32 s31, $0x1;
	_ =	swait.ge [sflag:s7], $0x800  }
.Ltmp1:
0x50: {  	[sflag:s7] =	ssyncset.done $0x0;
	(pc) =	sbr.rel @!p1 .LBB2_3-.Ltmp1, $4  }
0x51: {  	[sflag:s7] =	ssyncadd.s32 $0xFFFFF800  }
0x52: {  	[hbm4b:s4+s2] =	stream.linear.scatter [tilespmem:s5], [sflag:$0x2], $0x6000, $0x38;
	[tilespmem:$0x6600] =	vst v63  }
0x53: {  	s31 =	sadd.s32 $0xFFFFFFFF, s31;
	_ =	swait.ge [sflag:s3], $0x6000  }
0x54: {  	p0 =	por $0x1, $0x1;
	s1 =	rddreg [dreg:$0x3];
	[sflag:s3] =	ssyncset.done $0x0  }
.LBB2_2:
0x55: {  	[sflag:s3] =	ssyncadd.s32 $0xFFFFA000  }
0x56: {  	[tilespmem:s2], [sflag:$0x2] =	stream.linear.gather [hbm4b:s1+s2], $0x600, $0x38;
	[tilespmem:$0x6600] =	vst v63  }
0x57: {  	_ =	swait.ge [sflag:s3], $0x600  }
0x58: {  	[sflag:s3] =	ssyncset.done $0x0  }
0x59: {  	[sflag:s3] =	ssyncadd.s32 $0xFFFFFA00  }
0x5a: {  	[tilespmem:s5], [sflag:$0x1] =	stream.indirect.gather [hbm4b:s6+s8], $0x10, s2, s8, $0xb8;
	[tilespmem:$0x6600] =	vst v63  }
0x5b: {  	_ = 	snop  }
0x5c: {  	[tilespmem:s9], [sflag:$0x1] =	stream.indirect.gather [hbm4b:s6+s8], $0x10, s8, s8, $0xb8;
	[tilespmem:$0x6600] =	vst v63  }
0x5d: {  	_ = 	snop  }
0x5e: {  	[tilespmem:s11], [sflag:$0x1] =	stream.indirect.gather [hbm4b:s6+s8], $0x10, s10, s8, $0xb8;
	[tilespmem:$0x6600] =	vst v63  }
0x5f: {  	_ = 	snop  }
0x60: {  	[tilespmem:s13], [sflag:$0x1] =	stream.indirect.gather [hbm4b:s6+s8], $0x10, s12, s8, $0xb8;
	[tilespmem:$0x6600] =	vst v63  }
0x61: {  	_ = 	snop  }
0x62: {  	[tilespmem:s15], [sflag:$0x1] =	stream.indirect.gather [hbm4b:s6+s8], $0x10, s14, s8, $0xb8;
	[tilespmem:$0x6600] =	vst v63  }
0x63: {  	_ = 	snop  }
0x64: {  	[tilespmem:s17], [sflag:$0x1] =	stream.indirect.gather [hbm4b:s6+s8], $0x10, s16, s8, $0xb8;
	[tilespmem:$0x6600] =	vst v63  }
0x65: {  	_ = 	snop  }
0x66: {  	[tilespmem:s19], [sflag:$0x1] =	stream.indirect.gather [hbm4b:s6+s8], $0x10, s18, s8, $0xb8;
	[tilespmem:$0x6600] =	vst v63  }
0x67: {  	_ = 	snop  }
0x68: {  	[tilespmem:s21], [sflag:$0x1] =	stream.indirect.gather [hbm4b:s6+s8], $0x10, s20, s8, $0xb8;
	[tilespmem:$0x6600] =	vst v63  }
0x69: {  	_ = 	snop  }
0x6a: {  	[tilespmem:s23], [sflag:$0x1] =	stream.indirect.gather [hbm4b:s6+s8], $0x10, s22, s8, $0xb8;
	[tilespmem:$0x6600] =	vst v63  }
0x6b: {  	_ = 	snop  }
0x6c: {  	[tilespmem:s25], [sflag:$0x1] =	stream.indirect.gather [hbm4b:s6+s8], $0x10, s24, s8, $0xb8;
	[tilespmem:$0x6600] =	vst v63  }
0x6d: {  	_ = 	snop  }
0x6e: {  	[tilespmem:s28], [sflag:$0x1] =	stream.indirect.gather [hbm4b:s6+s8], $0x10, s26, s8, $0xb8;
	[tilespmem:$0x6600] =	vst v63  }
0x6f: {  	_ = 	snop  }
0x70: {  	[tilespmem:s30], [sflag:$0x1] =	stream.indirect.gather [hbm4b:s6+s8], $0x10, s29, s8, $0xb8;
	[tilespmem:$0x6600] =	vst v63  }
0x71: {  	_ =	swait.ge [sflag:s7], $0x800  }
0x72: {  	[sflag:s7] =	ssyncset.done $0x0  }
0x73: {  	[sflag:s7] =	ssyncadd.s32 $0xFFFFF800  }
0x74: {  	_ =	swait.ge [sflag:s7], $0x800  }
0x75: {  	[sflag:s7] =	ssyncset.done $0x0  }
0x76: {  	[sflag:s7] =	ssyncadd.s32 $0xFFFFF800  }
0x77: {  	_ =	swait.ge [sflag:s7], $0x800  }
0x78: {  	[sflag:s7] =	ssyncset.done $0x0  }
0x79: {  	[sflag:s7] =	ssyncadd.s32 $0xFFFFF800  }
0x7a: {  	_ =	swait.ge [sflag:s7], $0x800  }
0x7b: {  	[sflag:s7] =	ssyncset.done $0x0  }
0x7c: {  	[sflag:s7] =	ssyncadd.s32 $0xFFFFF800  }
0x7d: {  	_ =	swait.ge [sflag:s7], $0x800  }
0x7e: {  	[sflag:s7] =	ssyncset.done $0x0  }
0x7f: {  	[sflag:s7] =	ssyncadd.s32 $0xFFFFF800  }
0x80: {  	_ =	swait.ge [sflag:s7], $0x800  }
0x81: {  	[sflag:s7] =	ssyncset.done $0x0  }
0x82: {  	[sflag:s7] =	ssyncadd.s32 $0xFFFFF800  }
0x83: {  	_ =	swait.ge [sflag:s7], $0x800  }
0x84: {  	[sflag:s7] =	ssyncset.done $0x0  }
0x85: {  	[sflag:s7] =	ssyncadd.s32 $0xFFFFF800  }
0x86: {  	_ =	swait.ge [sflag:s7], $0x800  }
0x87: {  	[sflag:s7] =	ssyncset.done $0x0  }
0x88: {  	[sflag:s7] =	ssyncadd.s32 $0xFFFFF800  }
0x89: {  	_ =	swait.ge [sflag:s7], $0x800  }
0x8a: {  	[sflag:s7] =	ssyncset.done $0x0  }
0x8b: {  	[sflag:s7] =	ssyncadd.s32 $0xFFFFF800  }
0x8c: {  	_ =	swait.ge [sflag:s7], $0x800  }
0x8d: {  	[sflag:s7] =	ssyncset.done $0x0  }
0x8e: {  	[sflag:s7] =	ssyncadd.s32 $0xFFFFF800  }
0x8f: {  	_ =	swait.ge [sflag:s7], $0x800  }
0x90: {  	[sflag:s7] =	ssyncset.done $0x0  }
0x91: {  	[sflag:s7] =	ssyncadd.s32 $0xFFFFF800  }
0x92: {  	p1 =	sne.s32 s31, $0x1;
	_ =	swait.ge [sflag:s7], $0x800  }
.Ltmp2:
0x93: {  	[sflag:s7] =	ssyncset.done $0x0;
	(pc) =	sbr.rel @p1 .LBB2_2-.Ltmp2, $4  }
0x94: {  	[sflag:s7] =	ssyncadd.s32 $0xFFFFF800  }
0x95: {  	[hbm4b:s4+s2] =	stream.linear.scatter [tilespmem:s5], [sflag:$0x2], $0x6000, $0x38;
	[tilespmem:$0x6600] =	vst v63  }
0x96: {  	_ =	swait.ge [sflag:s3], $0x6000  }
0x97: {  	s31 =	sadd.s32 $0xFFFFFFFF, s31;
	s1 =	rddreg [dreg:$0x3];
	[sflag:s3] =	ssyncset.done $0x0  }
.LBB2_3:
0x98: {  	[sflag:s3] =	ssyncadd.s32 @p0 $0xFFFFA000  }
0x99: {  	[tilespmem:s2], [sflag:$0x2] =	stream.linear.gather [hbm4b:s1+s2], $0x600, $0x38;
	[tilespmem:$0x6600] =	vst v63  }
0x9a: {  	_ =	swait.ge [sflag:s3], $0x600  }
0x9b: {  	[sflag:s3] =	ssyncset.done $0x0  }
0x9c: {  	[sflag:s3] =	ssyncadd.s32 $0xFFFFFA00  }
0x9d: {  	[tilespmem:s5], [sflag:$0x1] =	stream.indirect.gather [hbm4b:s6+s8], $0x10, s2, s8, $0xb8;
	[tilespmem:$0x6600] =	vst v63  }
0x9e: {  	_ = 	snop  }
0x9f: {  	[tilespmem:s9], [sflag:$0x1] =	stream.indirect.gather [hbm4b:s6+s8], $0x10, s8, s8, $0xb8;
	[tilespmem:$0x6600] =	vst v63  }
0xa0: {  	_ = 	snop  }
0xa1: {  	[tilespmem:s11], [sflag:$0x1] =	stream.indirect.gather [hbm4b:s6+s8], $0x10, s10, s8, $0xb8;
	[tilespmem:$0x6600] =	vst v63  }
0xa2: {  	_ = 	snop  }
0xa3: {  	[tilespmem:s13], [sflag:$0x1] =	stream.indirect.gather [hbm4b:s6+s8], $0x10, s12, s8, $0xb8;
	[tilespmem:$0x6600] =	vst v63  }
0xa4: {  	_ = 	snop  }
0xa5: {  	[tilespmem:s15], [sflag:$0x1] =	stream.indirect.gather [hbm4b:s6+s8], $0x10, s14, s8, $0xb8;
	[tilespmem:$0x6600] =	vst v63  }
0xa6: {  	_ = 	snop  }
0xa7: {  	[tilespmem:s17], [sflag:$0x1] =	stream.indirect.gather [hbm4b:s6+s8], $0x10, s16, s8, $0xb8;
	[tilespmem:$0x6600] =	vst v63  }
0xa8: {  	_ = 	snop  }
0xa9: {  	[tilespmem:s19], [sflag:$0x1] =	stream.indirect.gather [hbm4b:s6+s8], $0x10, s18, s8, $0xb8;
	[tilespmem:$0x6600] =	vst v63  }
0xaa: {  	_ = 	snop  }
0xab: {  	[tilespmem:s21], [sflag:$0x1] =	stream.indirect.gather [hbm4b:s6+s8], $0x10, s20, s8, $0xb8;
	[tilespmem:$0x6600] =	vst v63  }
0xac: {  	_ = 	snop  }
0xad: {  	[tilespmem:s23], [sflag:$0x1] =	stream.indirect.gather [hbm4b:s6+s8], $0x10, s22, s8, $0xb8;
	[tilespmem:$0x6600] =	vst v63  }
0xae: {  	_ = 	snop  }
0xaf: {  	[tilespmem:s25], [sflag:$0x1] =	stream.indirect.gather [hbm4b:s6+s8], $0x10, s24, s8, $0xb8;
	[tilespmem:$0x6600] =	vst v63  }
0xb0: {  	_ = 	snop  }
0xb1: {  	[tilespmem:s28], [sflag:$0x1] =	stream.indirect.gather [hbm4b:s6+s8], $0x10, s26, s8, $0xb8;
	[tilespmem:$0x6600] =	vst v63  }
0xb2: {  	_ = 	snop  }
0xb3: {  	[tilespmem:s30], [sflag:$0x1] =	stream.indirect.gather [hbm4b:s6+s8], $0x10, s29, s8, $0xb8;
	[tilespmem:$0x6600] =	vst v63  }
0xb4: {  	_ =	swait.ge [sflag:s7], $0x800  }
0xb5: {  	[sflag:s7] =	ssyncset.done $0x0  }
0xb6: {  	[sflag:s7] =	ssyncadd.s32 $0xFFFFF800  }
0xb7: {  	_ =	swait.ge [sflag:s7], $0x800  }
0xb8: {  	[sflag:s7] =	ssyncset.done $0x0  }
0xb9: {  	[sflag:s7] =	ssyncadd.s32 $0xFFFFF800  }
0xba: {  	_ =	swait.ge [sflag:s7], $0x800  }
0xbb: {  	[sflag:s7] =	ssyncset.done $0x0  }
0xbc: {  	[sflag:s7] =	ssyncadd.s32 $0xFFFFF800  }
0xbd: {  	_ =	swait.ge [sflag:s7], $0x800  }
0xbe: {  	[sflag:s7] =	ssyncset.done $0x0  }
0xbf: {  	[sflag:s7] =	ssyncadd.s32 $0xFFFFF800  }
0xc0: {  	_ =	swait.ge [sflag:s7], $0x800  }
0xc1: {  	[sflag:s7] =	ssyncset.done $0x0  }
0xc2: {  	[sflag:s7] =	ssyncadd.s32 $0xFFFFF800  }
0xc3: {  	_ =	swait.ge [sflag:s7], $0x800  }
0xc4: {  	[sflag:s7] =	ssyncset.done $0x0  }
0xc5: {  	[sflag:s7] =	ssyncadd.s32 $0xFFFFF800  }
0xc6: {  	_ =	swait.ge [sflag:s7], $0x800  }
0xc7: {  	[sflag:s7] =	ssyncset.done $0x0  }
0xc8: {  	[sflag:s7] =	ssyncadd.s32 $0xFFFFF800  }
0xc9: {  	_ =	swait.ge [sflag:s7], $0x800  }
0xca: {  	[sflag:s7] =	ssyncset.done $0x0  }
0xcb: {  	[sflag:s7] =	ssyncadd.s32 $0xFFFFF800  }
0xcc: {  	_ =	swait.ge [sflag:s7], $0x800  }
0xcd: {  	[sflag:s7] =	ssyncset.done $0x0  }
0xce: {  	[sflag:s7] =	ssyncadd.s32 $0xFFFFF800  }
0xcf: {  	_ =	swait.ge [sflag:s7], $0x800  }
0xd0: {  	[sflag:s7] =	ssyncset.done $0x0  }
0xd1: {  	[sflag:s7] =	ssyncadd.s32 $0xFFFFF800  }
0xd2: {  	_ =	swait.ge [sflag:s7], $0x800  }
0xd3: {  	[sflag:s7] =	ssyncset.done $0x0  }
0xd4: {  	[sflag:s7] =	ssyncadd.s32 $0xFFFFF800  }
0xd5: {  	_ =	swait.ge [sflag:s7], $0x800  }
0xd6: {  	[sflag:s7] =	ssyncset.done $0x0  }
0xd7: {  	[sflag:s7] =	ssyncadd.s32 $0xFFFFF800  }
0xd8: {  	[hbm4b:s4+s2] =	stream.linear.scatter [tilespmem:s5], [sflag:$0x2], $0x6000, $0x38;
	[tilespmem:$0x6600] =	vst v63  }
0xd9: {  	_ =	swait.ge [sflag:s3], $0x6000  }
0xda: {  	[sflag:s3] =	ssyncset.done $0x0  }
0xdb: {  	[sflag:s3] =	ssyncadd.s32 $0xFFFFA000  }
0xdc: {  	_ =	sfence.sel $0x180000  }
0xdd: {  	[bflag:$0x0] =	sbarrier.arrive $0xFFFF  }
0xde: {  	_ =	strace $0x9000004A  }
0xdf: {  	[bflag:$0x2] =	sbarrier.arrive $0xFFFF  }
0xe0: {  	p0 =	sne.s32 s0, $0x0;
	s0 =	rddreg [dreg:$0x2]  }
0xe1: {  	s0 =	sadd.s32 @!p0 $0x100000, s0  }
0xe2: {  	[sflag:s0] =	ssyncadd.tile.s32 @!p0 $0x1;
	_ =	shalt  }
.Lfunc_end2:
_tile_overlayer_lowered:
.L_overlay_start_2:
0xe3: {  	(tag) =	ssettag $0x2  }
0xe4: {  	s0 =	rddreg [dreg:$0x0];
	s2 =	stileid.u32  }
0xe5: {  	s1 =	rddreg [dreg:$0x1];
	p0 =	sne.s32 s2, $0x0  }
0xe6: {  	s3 =	rddreg [dreg:$0x2];
	[bflag:$0x3] =	sbarrier.arrive $0xFFFF;
	s2 =	simm.s32 @!p0 $0x1C02  }
0xe7: {  	[timem:s3], [sflag:s2] =	dma.local @!p0 [hbm:s0], s1  }
0xe8: {  	s0 =	simm.s32 @!p0 $0x2  }
0xe9: {  	_ =	swait.ge @!p0 [sflag:s0], s1  }
0xea: {  	s1 =	ssub.s32 @!p0 $0x0, s1;
	[sflag:s0] =	ssyncset.done @!p0 $0x0  }
0xeb: {  	[sflag:s0] =	ssyncadd.s32 @!p0 s1  }
0xec: {  	[bflag:$0x3] =	sbarrier.arrive $0xFFFF  }
0xed: {  	_ =	shalt  }

</sc_bundles>
